<compile_context>
chip_gen: v7x
topology: tpu7x:2x2x1
jax: 0.10.2.dev20260603
libtpu: 0.0.44.dev20260713+nightly
codegen_flags: <defaults>
</compile_context>

<pallas_src>
import functools

import jax
import jax.numpy as jnp
from jax import lax
from jax.experimental import pallas as pl
from jax.experimental.pallas import tpu as pltpu
from jax.experimental.pallas import tpu_sc as plsc

_CN = 10000

_NQ = 20000
_QPAD = 20224
_NB1 = _QPAD // 16
_NB1P = 1280
_NB2 = _NB1P // 16
_NB3 = _NB2 // 16
_K = 100
_KPAD = 128



def _score_body(lg_ref, obj_ref, unk_ref, qs_ref, ql_ref):
    lg = lg_ref[0]
    obj = obj_ref[0]
    unk = unk_ref[0]

    obj_prob = jnp.exp(-obj)
    up = jax.nn.sigmoid(unk)
    sup = jnp.clip(1.0 - up, 0.0, 1.0)
    us = obj_prob * up

    lgT = jnp.swapaxes(lg, 0, 1)
    kp = jax.nn.sigmoid(lgT)
    cls = lax.broadcasted_iota(jnp.int32, kp.shape, 0)
    inv = (cls >= 75) & (cls <= 79)
    ks = (obj_prob * kp) * sup
    ks = jnp.where(inv | (cls >= 90), -1.0, ks)
    best = jnp.max(ks, axis=0, keepdims=True)
    lbl = jnp.min(jnp.where(ks == best, cls, 91), axis=0,
                  keepdims=True).astype(jnp.int32)

    best = jnp.maximum(best, 0.0)
    choose = us >= jnp.float32(0.95) * best
    qs_ref[0] = jnp.where(choose, us, best)
    ql_ref[0] = jnp.where(choose, 90, lbl)


def _query_scores(pred_logits, pred_obj, pred_unk):
    B, N, C = pred_logits.shape
    nb = N // _CN
    grid = (B, nb)
    lane_spec = pl.BlockSpec((1, 1, _CN), lambda b, n: (b * nb + n, 0, 0))
    qs, ql = pl.pallas_call(
        _score_body,
        grid=grid,
        in_specs=[
            pl.BlockSpec((1, _CN, C), lambda b, n: (b, n, 0)),
            lane_spec,
            lane_spec,
        ],
        out_specs=[lane_spec, lane_spec],
        out_shape=[
            jax.ShapeDtypeStruct((B * nb, 1, _CN), jnp.float32),
            jax.ShapeDtypeStruct((B * nb, 1, _CN), jnp.int32),
        ],
    )(pred_logits,
      pred_obj.reshape(B * nb, 1, _CN),
      pred_unk.reshape(B * nb, 1, _CN))
    return qs.reshape(B * N), ql.reshape(B * N)



def _ffs(mask):
    r = plsc.all_reduce_ffs(mask)
    if getattr(r, "ndim", 0):
        r = r[0]
    return r


def _store1(ref, i, val, dtype):
    li = lax.iota(jnp.int32, 16)
    plsc.store_scatter(ref, [jnp.full((16,), i, jnp.int32)],
                       jnp.full((16,), val, dtype), mask=li == 0)


def _sc_body(qs_hbm, ql_hbm, bx_hbm, ts_hbm,
             sco_out, lab_out, box_out,
             q_ref, sbm1_ref, sbm2_ref, sbm3_ref,
             topv_ref, topi_ref, lbl_ref, boxo_ref,
             ql_ref, bx_ref, ts_ref):
    c = lax.axis_index("c")
    s = lax.axis_index("s")
    wid = s * 2 + c

    @pl.when(wid < 8)
    def _():
        b = wid
        base = b * _NQ
        li = lax.iota(jnp.int32, 16)
        neg1 = jnp.full((16,), -1.0, jnp.float32)

        pltpu.sync_copy(qs_hbm.at[pl.ds(base, _NQ)], q_ref.at[pl.ds(0, _NQ)])
        pltpu.sync_copy(ql_hbm.at[pl.ds(base, _NQ)], ql_ref)
        pltpu.sync_copy(bx_hbm.at[pl.ds(base * 4, _NQ * 4)], bx_ref)
        pltpu.sync_copy(ts_hbm, ts_ref)
        for j in range((_QPAD - _NQ) // 16):
            q_ref[pl.ds(_NQ + j * 16, 16)] = neg1

        def grp1(g, _):
            idx0 = li * 16 + g * 256
            acc = neg1
            for j in range(16):
                acc = jnp.maximum(acc, plsc.load_gather(q_ref, [idx0 + j]))
            sbm1_ref[pl.ds(g * 16, 16)] = acc
            return 0
        lax.fori_loop(0, _QPAD // 256, grp1, 0)
        sbm1_ref[pl.ds(_NB1, 16)] = neg1

        def grp2(g, _):
            idx0 = li * 16 + g * 256
            acc = neg1
            for j in range(16):
                acc = jnp.maximum(acc, plsc.load_gather(sbm1_ref, [idx0 + j]))
            sbm2_ref[pl.ds(g * 16, 16)] = acc
            return 0
        lax.fori_loop(0, _NB1P // 256, grp2, 0)

        acc3 = neg1
        for l in range(_NB3):
            m = jnp.max(sbm2_ref[pl.ds(l * 16, 16)])
            acc3 = jnp.where(li == l, m, acc3)
        sbm3_ref[...] = acc3

        topv_ref[pl.ds(96, 16)] = neg1
        topv_ref[pl.ds(112, 16)] = neg1
        zpad = jnp.zeros((16,), jnp.int32)
        topi_ref[pl.ds(96, 16)] = zpad
        topi_ref[pl.ds(112, 16)] = zpad

        def extract(k, _):
            v3 = sbm3_ref[...]
            gm = jnp.max(v3)
            t3 = _ffs(v3 == gm)
            v2 = sbm2_ref[pl.ds(t3 * 16, 16)]
            t2 = t3 * 16 + _ffs(v2 == gm)
            v1 = sbm1_ref[pl.ds(t2 * 16, 16)]
            t1 = t2 * 16 + _ffs(v1 == gm)
            ev = q_ref[pl.ds(t1 * 16, 16)]
            lane = _ffs(ev == gm)

            _store1(topv_ref, k, gm, jnp.float32)
            _store1(topi_ref, k, t1 * 16 + lane, jnp.int32)

            ev2 = jnp.where(li == lane, -1.0, ev)
            q_ref[pl.ds(t1 * 16, 16)] = ev2
            v1u = jnp.where(li == (t1 - t2 * 16), jnp.max(ev2), v1)
            sbm1_ref[pl.ds(t2 * 16, 16)] = v1u
            v2u = jnp.where(li == (t2 - t3 * 16), jnp.max(v1u), v2)
            sbm2_ref[pl.ds(t3 * 16, 16)] = v2u
            sbm3_ref[...] = jnp.where(li == t3, jnp.max(v2u), v3)
            return 0
        lax.fori_loop(0, _K, extract, 0)

        tsv = ts_ref[...]
        img_h = jnp.max(jnp.where(li == 2 * b, tsv, jnp.float32(-1e30)))
        img_w = jnp.max(jnp.where(li == 2 * b + 1, tsv, jnp.float32(-1e30)))
        half = jnp.float32(0.5)
        for v in range(_KPAD // 16):
            idx = topi_ref[pl.ds(v * 16, 16)]
            lbl_ref[pl.ds(v * 16, 16)] = plsc.load_gather(ql_ref, [idx])
            xc = plsc.load_gather(bx_ref, [idx])
            yc = plsc.load_gather(bx_ref, [idx + _NQ])
            w = plsc.load_gather(bx_ref, [idx + 2 * _NQ])
            h = plsc.load_gather(bx_ref, [idx + 3 * _NQ])
            o4 = (li + v * 16) * 4
            plsc.store_scatter(boxo_ref, [o4], (xc - half * w) * img_w)
            plsc.store_scatter(boxo_ref, [o4 + 1], (yc - half * h) * img_h)
            plsc.store_scatter(boxo_ref, [o4 + 2], (xc + half * w) * img_w)
            plsc.store_scatter(boxo_ref, [o4 + 3], (yc + half * h) * img_h)

        pltpu.sync_copy(topv_ref, sco_out.at[b])
        pltpu.sync_copy(lbl_ref, lab_out.at[b])
        pltpu.sync_copy(boxo_ref, box_out.at[b])


def _sc_topk(qs_flat, ql_flat, boxes_flat, ts_flat):
    B = 8
    mesh = plsc.VectorSubcoreMesh(core_axis_name="c", subcore_axis_name="s")
    fn = functools.partial(
        pl.kernel,
        mesh=mesh,
        compiler_params=pltpu.CompilerParams(needs_layout_passes=False),
        out_type=[
            jax.ShapeDtypeStruct((B, _KPAD), jnp.float32),
            jax.ShapeDtypeStruct((B, _KPAD), jnp.int32),
            jax.ShapeDtypeStruct((B, _KPAD * 4), jnp.float32),
        ],
        scratch_types=[
            pltpu.VMEM((_QPAD,), jnp.float32),
            pltpu.VMEM((_NB1P,), jnp.float32),
            pltpu.VMEM((_NB2,), jnp.float32),
            pltpu.VMEM((16,), jnp.float32),
            pltpu.VMEM((_KPAD,), jnp.float32),
            pltpu.VMEM((_KPAD,), jnp.int32),
            pltpu.VMEM((_KPAD,), jnp.int32),
            pltpu.VMEM((_KPAD * 4,), jnp.float32),
            pltpu.VMEM((_NQ,), jnp.int32),
            pltpu.VMEM((_NQ * 4,), jnp.float32),
            pltpu.VMEM((16,), jnp.float32),
        ],
    )(_sc_body)
    return fn(qs_flat, ql_flat, boxes_flat, ts_flat)


def kernel(pred_logits, pred_obj, pred_unk, pred_boxes, target_sizes):
    B, N, C = pred_logits.shape
    qs_flat, ql_flat = _query_scores(pred_logits, pred_obj, pred_unk)
    bx_planar = jnp.transpose(pred_boxes, (0, 2, 1)).reshape(B * 4 * N)
    scores_p, labels_p, boxes_p = _sc_topk(
        qs_flat, ql_flat, bx_planar,
        target_sizes.reshape(B * 2),
    )
    return (scores_p[:, :_K], labels_p[:, :_K],
            boxes_p.reshape(B, _KPAD, 4)[:, :_K, :])

# --- scband reference (transcript-rebuilt; emitter-appended) ---
"""Pipeline reference for scband-post-process-21268678050342 (READ-ONLY COPY).

The authoritative reference and input builder live on the scoring server;
editing this copy changes nothing except your own understanding.
"""

import jax, jax.numpy as jnp
import numpy as np

INVALID = jnp.array([75, 76, 77, 78, 79])
TEMPERATURE = 1.0
PRED_PER_IM = 100
ROUTING = 0.95
KNOWN_COEFF = 1.0
UNKNOWN_COEFF = 0.0


def setup_inputs(seed: int = 0) -> dict:
    key = jax.random.key(seed)
    k1, k2, k3, k4, k5 = jax.random.split(key, 5)
    B, N, C = 8, 20000, 91
    return {
        "pred_logits": jax.random.normal(k1, (B, N, C), dtype=jnp.float32),
        "pred_obj": jax.random.uniform(k2, (B, N), dtype=jnp.float32),
        "pred_unk": jax.random.normal(k3, (B, N), dtype=jnp.float32),
        "pred_boxes": jax.random.uniform(k4, (B, N, 4), dtype=jnp.float32),
        "target_sizes": jax.random.uniform(k5, (B, 2), dtype=jnp.float32),
    }


def _box_cxcywh_to_xyxy(b):
    xc, yc, w, h = b[..., 0], b[..., 1], b[..., 2], b[..., 3]
    return jnp.stack([xc - 0.5 * w, yc - 0.5 * h, xc + 0.5 * w, yc + 0.5 * h], axis=-1)


def _forward(pred_logits, pred_obj, pred_unk, pred_boxes, target_sizes):
    C = pred_logits.shape[-1]
    logits = pred_logits.at[:, :, INVALID].set(-1e11)
    obj_prob = jnp.exp(-TEMPERATURE * pred_obj)
    known_prob = jax.nn.sigmoid(logits)
    known_prob = known_prob.at[:, :, INVALID].set(0.0)
    known_prob = known_prob.at[:, :, -1].set(0.0)
    unk_prob = jax.nn.sigmoid(pred_unk)
    known_suppress = jnp.clip(1.0 - KNOWN_COEFF * unk_prob[..., None], 0.0, 1.0)
    known_scores_full = obj_prob[..., None] * known_prob * known_suppress
    max_known_prob = jnp.max(known_prob[:, :, :-1], axis=-1)
    unknown_suppress = jnp.clip(1.0 - UNKNOWN_COEFF * max_known_prob, 0.0, 1.0)
    unknown_score = obj_prob * unk_prob * unknown_suppress
    known_scores = known_scores_full[:, :, :-1]
    # all invalid class indices are < C-1 so they remain valid after trimming
    known_scores = known_scores.at[:, :, INVALID].set(-1.0)
    best_known_scores = jnp.max(known_scores, axis=-1)
    best_known_labels = jnp.argmax(known_scores, axis=-1)
    best_known_scores = jnp.maximum(best_known_scores, 0.0)
    choose_unknown = unknown_score >= ROUTING * best_known_scores
    query_scores = jnp.where(choose_unknown, unknown_score, best_known_scores)
    query_labels = jnp.where(choose_unknown, C - 1, best_known_labels)
    k = min(PRED_PER_IM, query_scores.shape[1])
    scores, topk_idx = jax.lax.top_k(query_scores, k)
    labels = jnp.take_along_axis(query_labels, topk_idx, axis=1)
    boxes = _box_cxcywh_to_xyxy(pred_boxes)
    boxes = jnp.take_along_axis(boxes, topk_idx[..., None], axis=1)
    img_h, img_w = target_sizes[:, 0], target_sizes[:, 1]
    scale_fct = jnp.stack([img_w, img_h, img_w, img_h], axis=1)
    boxes = boxes * scale_fct[:, None, :]
    return scores, labels, boxes


def reference(pred_logits, pred_obj, pred_unk, pred_boxes, target_sizes):
    return _forward(pred_logits, pred_obj, pred_unk, pred_boxes, target_sizes)

if __name__ == "__main__":
    import jax
    _d = setup_inputs()
    print(jax.jit(kernel)(*tuple(_d.values())))

</pallas_src>

<mosaic_0001>
#map = affine_map<(d0, d1) -> (0)>
#map1 = affine_map<(d0, d1) -> (0, 0)>
module attributes {stable_mosaic.version = 14 : i64} {
  func.func @_sc_body(%arg0: i32, %arg1: i32, %arg2: memref<160000xf32, #tpu.memory_space<hbm>>, %arg3: memref<160000xi32, #tpu.memory_space<hbm>>, %arg4: memref<640000xf32, #tpu.memory_space<hbm>>, %arg5: memref<16xf32, #tpu.memory_space<hbm>>, %arg6: memref<8x128xf32, #tpu.memory_space<hbm>>, %arg7: memref<8x128xi32, #tpu.memory_space<hbm>>, %arg8: memref<8x512xf32, #tpu.memory_space<hbm>>, %arg9: memref<20224xf32, #tpu.memory_space<vmem>>, %arg10: memref<1280xf32, #tpu.memory_space<vmem>>, %arg11: memref<80xf32, #tpu.memory_space<vmem>>, %arg12: memref<16xf32, #tpu.memory_space<vmem>>, %arg13: memref<128xf32, #tpu.memory_space<vmem>>, %arg14: memref<128xi32, #tpu.memory_space<vmem>>, %arg15: memref<128xi32, #tpu.memory_space<vmem>>, %arg16: memref<512xf32, #tpu.memory_space<vmem>>, %arg17: memref<20000xi32, #tpu.memory_space<vmem>>, %arg18: memref<80000xf32, #tpu.memory_space<vmem>>, %arg19: memref<16xf32, #tpu.memory_space<vmem>>) attributes {dimension_semantics = [#tpu.dimension_semantics<core_parallel>, #tpu.dimension_semantics<subcore_parallel>], iteration_bounds = array<i64: 2, 16>, scalar_prefetch = 0 : i64, scratch_operands = 11 : i64, tpu.core_type = #tpu.core_type<sc_vector_subcore>, window_params = [{transform_indices = #map}, {transform_indices = #map}, {transform_indices = #map}, {transform_indices = #map}, {transform_indices = #map1}, {transform_indices = #map1}, {transform_indices = #map1}]} {
    %mul3A = arith.constant 2 : i32
    %mul3A_0 = arith.muli %arg1, %mul3A : i32
    %add3A = arith.addi %mul3A_0, %arg0 : i32
    %lt3A = arith.constant 8 : i32
    %lt3A_1 = arith.cmpi slt, %add3A, %lt3A : i32
    %convert_element_type3A = arith.extui %lt3A_1 : i1 to i32
    %cond3A = arith.constant 0 : i32
    %cond3A_2 = arith.cmpi ne, %convert_element_type3A, %cond3A : i32
    scf.if %cond3A_2 {
      %mul3A_3 = arith.constant 20000 : i32
      %mul3A_4 = arith.muli %add3A, %mul3A_3 : i32
      %iota3A = tpu.iota {dimensions = array<i32: 0>} : vector<16xi32>
      %broadcast_in_dim3A = arith.constant -1.000000e+00 : f32
      %broadcast_in_dim3A_5 = vector.broadcast %broadcast_in_dim3A : f32 to vector<16xf32>
      "tpu.region"() ({
        %run_scoped3A = tpu.sem_alloc : memref<!tpu.dma_semaphore, #tpu.memory_space<semaphore_mem>>
        %dma_start3A = arith.constant 0 : i32
        %dma_start3A_599 = tpu.memref_slice %arg9[%dma_start3A] : memref<20224xf32, #tpu.memory_space<vmem>> -> memref<20000xf32, #tpu.memory_space<vmem>>
        %dma_start3A_600 = tpu.memref_slice %arg2[%mul3A_4] : memref<160000xf32, #tpu.memory_space<hbm>> -> memref<20000xf32, #tpu.memory_space<hbm>>
        %dma_start3A_601 = arith.constant 0 : i32
        %dma_start3A_602 = tpu.memref_slice %arg9[%dma_start3A_601] : memref<20224xf32, #tpu.memory_space<vmem>> -> memref<20000xf32, #tpu.memory_space<vmem>>
        %dma_start3A_603 = tpu.memref_slice %arg2[%mul3A_4] : memref<160000xf32, #tpu.memory_space<hbm>> -> memref<20000xf32, #tpu.memory_space<hbm>>
        tpu.enqueue_dma source(%dma_start3A_603 : memref<20000xf32, #tpu.memory_space<hbm>>) target(%dma_start3A_602 : memref<20000xf32, #tpu.memory_space<vmem>>) target_semaphore(%run_scoped3A : memref<!tpu.dma_semaphore, #tpu.memory_space<semaphore_mem>>)
        %dma_wait3A = arith.constant 0 : i32
        %dma_wait3A_604 = tpu.memref_slice %arg9[%dma_wait3A] : memref<20224xf32, #tpu.memory_space<vmem>> -> memref<20000xf32, #tpu.memory_space<vmem>>
        %dma_wait3A_605 = tpu.memref_slice %arg2[%mul3A_4] : memref<160000xf32, #tpu.memory_space<hbm>> -> memref<20000xf32, #tpu.memory_space<hbm>>
        %dma_wait3A_606 = arith.constant 0 : i32
        %dma_wait3A_607 = tpu.memref_slice %arg9[%dma_wait3A_606] : memref<20224xf32, #tpu.memory_space<vmem>> -> memref<20000xf32, #tpu.memory_space<vmem>>
        %dma_wait3A_608 = tpu.memref_slice %arg2[%mul3A_4] : memref<160000xf32, #tpu.memory_space<hbm>> -> memref<20000xf32, #tpu.memory_space<hbm>>
        tpu.wait_dma2 semaphore(%run_scoped3A : memref<!tpu.dma_semaphore, #tpu.memory_space<semaphore_mem>>) src(%dma_wait3A_608 : memref<20000xf32, #tpu.memory_space<hbm>>) dst(%dma_wait3A_607 : memref<20000xf32, #tpu.memory_space<vmem>>)
        tpu.yield
      }) : () -> ()
      "tpu.region"() ({
        %run_scoped3A = tpu.sem_alloc : memref<!tpu.dma_semaphore, #tpu.memory_space<semaphore_mem>>
        %dma_start3A = tpu.memref_slice %arg3[%mul3A_4] : memref<160000xi32, #tpu.memory_space<hbm>> -> memref<20000xi32, #tpu.memory_space<hbm>>
        %dma_start3A_599 = tpu.memref_slice %arg3[%mul3A_4] : memref<160000xi32, #tpu.memory_space<hbm>> -> memref<20000xi32, #tpu.memory_space<hbm>>
        tpu.enqueue_dma source(%dma_start3A_599 : memref<20000xi32, #tpu.memory_space<hbm>>) target(%arg17 : memref<20000xi32, #tpu.memory_space<vmem>>) target_semaphore(%run_scoped3A : memref<!tpu.dma_semaphore, #tpu.memory_space<semaphore_mem>>)
        %dma_wait3A = tpu.memref_slice %arg3[%mul3A_4] : memref<160000xi32, #tpu.memory_space<hbm>> -> memref<20000xi32, #tpu.memory_space<hbm>>
        %dma_wait3A_600 = tpu.memref_slice %arg3[%mul3A_4] : memref<160000xi32, #tpu.memory_space<hbm>> -> memref<20000xi32, #tpu.memory_space<hbm>>
        tpu.wait_dma2 semaphore(%run_scoped3A : memref<!tpu.dma_semaphore, #tpu.memory_space<semaphore_mem>>) src(%dma_wait3A_600 : memref<20000xi32, #tpu.memory_space<hbm>>) dst(%arg17 : memref<20000xi32, #tpu.memory_space<vmem>>)
        tpu.yield
      }) : () -> ()
      %mul3A_6 = arith.constant 4 : i32
      %mul3A_7 = arith.muli %mul3A_4, %mul3A_6 : i32
      "tpu.region"() ({
        %run_scoped3A = tpu.sem_alloc : memref<!tpu.dma_semaphore, #tpu.memory_space<semaphore_mem>>
        %dma_start3A = tpu.memref_slice %arg4[%mul3A_7] : memref<640000xf32, #tpu.memory_space<hbm>> -> memref<80000xf32, #tpu.memory_space<hbm>>
        %dma_start3A_599 = tpu.memref_slice %arg4[%mul3A_7] : memref<640000xf32, #tpu.memory_space<hbm>> -> memref<80000xf32, #tpu.memory_space<hbm>>
        tpu.enqueue_dma source(%dma_start3A_599 : memref<80000xf32, #tpu.memory_space<hbm>>) target(%arg18 : memref<80000xf32, #tpu.memory_space<vmem>>) target_semaphore(%run_scoped3A : memref<!tpu.dma_semaphore, #tpu.memory_space<semaphore_mem>>)
        %dma_wait3A = tpu.memref_slice %arg4[%mul3A_7] : memref<640000xf32, #tpu.memory_space<hbm>> -> memref<80000xf32, #tpu.memory_space<hbm>>
        %dma_wait3A_600 = tpu.memref_slice %arg4[%mul3A_7] : memref<640000xf32, #tpu.memory_space<hbm>> -> memref<80000xf32, #tpu.memory_space<hbm>>
        tpu.wait_dma2 semaphore(%run_scoped3A : memref<!tpu.dma_semaphore, #tpu.memory_space<semaphore_mem>>) src(%dma_wait3A_600 : memref<80000xf32, #tpu.memory_space<hbm>>) dst(%arg18 : memref<80000xf32, #tpu.memory_space<vmem>>)
        tpu.yield
      }) : () -> ()
      "tpu.region"() ({
        %run_scoped3A = tpu.sem_alloc : memref<!tpu.dma_semaphore, #tpu.memory_space<semaphore_mem>>
        tpu.enqueue_dma source(%arg5 : memref<16xf32, #tpu.memory_space<hbm>>) target(%arg19 : memref<16xf32, #tpu.memory_space<vmem>>) target_semaphore(%run_scoped3A : memref<!tpu.dma_semaphore, #tpu.memory_space<semaphore_mem>>)
        tpu.wait_dma2 semaphore(%run_scoped3A : memref<!tpu.dma_semaphore, #tpu.memory_space<semaphore_mem>>) src(%arg5 : memref<16xf32, #tpu.memory_space<hbm>>) dst(%arg19 : memref<16xf32, #tpu.memory_space<vmem>>)
        tpu.yield
      }) : () -> ()
      %swap3A = arith.constant 20000 : index
      %swap3A_8 = tpu.vector_load %arg9[%swap3A] {strides = array<i32>} : memref<20224xf32, #tpu.memory_space<vmem>>, vector<16xf32>,
      tpu.vector_store %arg9[%swap3A], %broadcast_in_dim3A_5 {strides = array<i32>} : memref<20224xf32, #tpu.memory_space<vmem>>, vector<16xf32>,
      %swap3A_9 = arith.constant 20016 : index
      %swap3A_10 = tpu.vector_load %arg9[%swap3A_9] {strides = array<i32>} : memref<20224xf32, #tpu.memory_space<vmem>>, vector<16xf32>,
      tpu.vector_store %arg9[%swap3A_9], %broadcast_in_dim3A_5 {strides = array<i32>} : memref<20224xf32, #tpu.memory_space<vmem>>, vector<16xf32>,
      %swap3A_11 = arith.constant 20032 : index
      %swap3A_12 = tpu.vector_load %arg9[%swap3A_11] {strides = array<i32>} : memref<20224xf32, #tpu.memory_space<vmem>>, vector<16xf32>,
      tpu.vector_store %arg9[%swap3A_11], %broadcast_in_dim3A_5 {strides = array<i32>} : memref<20224xf32, #tpu.memory_space<vmem>>, vector<16xf32>,
      %swap3A_13 = arith.constant 20048 : index
      %swap3A_14 = tpu.vector_load %arg9[%swap3A_13] {strides = array<i32>} : memref<20224xf32, #tpu.memory_space<vmem>>, vector<16xf32>,
      tpu.vector_store %arg9[%swap3A_13], %broadcast_in_dim3A_5 {strides = array<i32>} : memref<20224xf32, #tpu.memory_space<vmem>>, vector<16xf32>,
      %swap3A_15 = arith.constant 20064 : index
      %swap3A_16 = tpu.vector_load %arg9[%swap3A_15] {strides = array<i32>} : memref<20224xf32, #tpu.memory_space<vmem>>, vector<16xf32>,
      tpu.vector_store %arg9[%swap3A_15], %broadcast_in_dim3A_5 {strides = array<i32>} : memref<20224xf32, #tpu.memory_space<vmem>>, vector<16xf32>,
      %swap3A_17 = arith.constant 20080 : index
      %swap3A_18 = tpu.vector_load %arg9[%swap3A_17] {strides = array<i32>} : memref<20224xf32, #tpu.memory_space<vmem>>, vector<16xf32>,
      tpu.vector_store %arg9[%swap3A_17], %broadcast_in_dim3A_5 {strides = array<i32>} : memref<20224xf32, #tpu.memory_space<vmem>>, vector<16xf32>,
      %swap3A_19 = arith.constant 20096 : index
      %swap3A_20 = tpu.vector_load %arg9[%swap3A_19] {strides = array<i32>} : memref<20224xf32, #tpu.memory_space<vmem>>, vector<16xf32>,
      tpu.vector_store %arg9[%swap3A_19], %broadcast_in_dim3A_5 {strides = array<i32>} : memref<20224xf32, #tpu.memory_space<vmem>>, vector<16xf32>,
      %swap3A_21 = arith.constant 20112 : index
      %swap3A_22 = tpu.vector_load %arg9[%swap3A_21] {strides = array<i32>} : memref<20224xf32, #tpu.memory_space<vmem>>, vector<16xf32>,
      tpu.vector_store %arg9[%swap3A_21], %broadcast_in_dim3A_5 {strides = array<i32>} : memref<20224xf32, #tpu.memory_space<vmem>>, vector<16xf32>,
      %swap3A_23 = arith.constant 20128 : index
      %swap3A_24 = tpu.vector_load %arg9[%swap3A_23] {strides = array<i32>} : memref<20224xf32, #tpu.memory_space<vmem>>, vector<16xf32>,
      tpu.vector_store %arg9[%swap3A_23], %broadcast_in_dim3A_5 {strides = array<i32>} : memref<20224xf32, #tpu.memory_space<vmem>>, vector<16xf32>,
      %swap3A_25 = arith.constant 20144 : index
      %swap3A_26 = tpu.vector_load %arg9[%swap3A_25] {strides = array<i32>} : memref<20224xf32, #tpu.memory_space<vmem>>, vector<16xf32>,
      tpu.vector_store %arg9[%swap3A_25], %broadcast_in_dim3A_5 {strides = array<i32>} : memref<20224xf32, #tpu.memory_space<vmem>>, vector<16xf32>,
      %swap3A_27 = arith.constant 20160 : index
      %swap3A_28 = tpu.vector_load %arg9[%swap3A_27] {strides = array<i32>} : memref<20224xf32, #tpu.memory_space<vmem>>, vector<16xf32>,
      tpu.vector_store %arg9[%swap3A_27], %broadcast_in_dim3A_5 {strides = array<i32>} : memref<20224xf32, #tpu.memory_space<vmem>>, vector<16xf32>,
      %swap3A_29 = arith.constant 20176 : index
      %swap3A_30 = tpu.vector_load %arg9[%swap3A_29] {strides = array<i32>} : memref<20224xf32, #tpu.memory_space<vmem>>, vector<16xf32>,
      tpu.vector_store %arg9[%swap3A_29], %broadcast_in_dim3A_5 {strides = array<i32>} : memref<20224xf32, #tpu.memory_space<vmem>>, vector<16xf32>,
      %swap3A_31 = arith.constant 20192 : index
      %swap3A_32 = tpu.vector_load %arg9[%swap3A_31] {strides = array<i32>} : memref<20224xf32, #tpu.memory_space<vmem>>, vector<16xf32>,
      tpu.vector_store %arg9[%swap3A_31], %broadcast_in_dim3A_5 {strides = array<i32>} : memref<20224xf32, #tpu.memory_space<vmem>>, vector<16xf32>,
      %swap3A_33 = arith.constant 20208 : index
      %swap3A_34 = tpu.vector_load %arg9[%swap3A_33] {strides = array<i32>} : memref<20224xf32, #tpu.memory_space<vmem>>, vector<16xf32>,
      tpu.vector_store %arg9[%swap3A_33], %broadcast_in_dim3A_5 {strides = array<i32>} : memref<20224xf32, #tpu.memory_space<vmem>>, vector<16xf32>,
      %scan3A = arith.constant 0 : i32
      %scan3A_35 = arith.constant 0 : i32
      %scan3A_36 = arith.constant 79 : i32
      %scan3A_37 = arith.addi %scan3A_35, %scan3A_36 : i32
      %scan3A_38 = arith.constant 1 : i32
      %scan3A_39 = scf.for %scan3A_599 = %scan3A_35 to %scan3A_37 step %scan3A_38 iter_args(%scan3A_600 = %scan3A) -> (i32)  : i32 {
        %mul3A_601 = arith.constant 16 : i32
        %mul3A_602 = vector.broadcast %mul3A_601 : i32 to vector<16xi32>
        %mul3A_603 = arith.muli %iota3A, %mul3A_602 : vector<16xi32>
        %mul3A_604 = arith.constant 256 : i32
        %mul3A_605 = arith.muli %scan3A_599, %mul3A_604 : i32
        %add3A_606 = vector.broadcast %mul3A_605 : i32 to vector<16xi32>
        %add3A_607 = arith.addi %mul3A_603, %add3A_606 : vector<16xi32>
        %add3A_608 = arith.constant 0 : i32
        %add3A_609 = vector.broadcast %add3A_608 : i32 to vector<16xi32>
        %add3A_610 = arith.addi %add3A_607, %add3A_609 : vector<16xi32>
        %gather3A_611 = tpu.vector_load_idx %arg9[%add3A_610] : memref<20224xf32, #tpu.memory_space<vmem>>[vector<16xi32>], vector<16xf32>,
        %max3A = arith.maximumf %broadcast_in_dim3A_5, %gather3A_611 : vector<16xf32>
        %add3A_612 = arith.constant 1 : i32
        %add3A_613 = vector.broadcast %add3A_612 : i32 to vector<16xi32>
        %add3A_614 = arith.addi %add3A_607, %add3A_613 : vector<16xi32>
        %gather3A_615 = tpu.vector_load_idx %arg9[%add3A_614] : memref<20224xf32, #tpu.memory_space<vmem>>[vector<16xi32>], vector<16xf32>,
        %max3A_616 = arith.maximumf %max3A, %gather3A_615 : vector<16xf32>
        %add3A_617 = arith.constant 2 : i32
        %add3A_618 = vector.broadcast %add3A_617 : i32 to vector<16xi32>
        %add3A_619 = arith.addi %add3A_607, %add3A_618 : vector<16xi32>
        %gather3A_620 = tpu.vector_load_idx %arg9[%add3A_619] : memref<20224xf32, #tpu.memory_space<vmem>>[vector<16xi32>], vector<16xf32>,
        %max3A_621 = arith.maximumf %max3A_616, %gather3A_620 : vector<16xf32>
        %add3A_622 = arith.constant 3 : i32
        %add3A_623 = vector.broadcast %add3A_622 : i32 to vector<16xi32>
        %add3A_624 = arith.addi %add3A_607, %add3A_623 : vector<16xi32>
        %gather3A_625 = tpu.vector_load_idx %arg9[%add3A_624] : memref<20224xf32, #tpu.memory_space<vmem>>[vector<16xi32>], vector<16xf32>,
        %max3A_626 = arith.maximumf %max3A_621, %gather3A_625 : vector<16xf32>
        %add3A_627 = arith.constant 4 : i32
        %add3A_628 = vector.broadcast %add3A_627 : i32 to vector<16xi32>
        %add3A_629 = arith.addi %add3A_607, %add3A_628 : vector<16xi32>
        %gather3A_630 = tpu.vector_load_idx %arg9[%add3A_629] : memref<20224xf32, #tpu.memory_space<vmem>>[vector<16xi32>], vector<16xf32>,
        %max3A_631 = arith.maximumf %max3A_626, %gather3A_630 : vector<16xf32>
        %add3A_632 = arith.constant 5 : i32
        %add3A_633 = vector.broadcast %add3A_632 : i32 to vector<16xi32>
        %add3A_634 = arith.addi %add3A_607, %add3A_633 : vector<16xi32>
        %gather3A_635 = tpu.vector_load_idx %arg9[%add3A_634] : memref<20224xf32, #tpu.memory_space<vmem>>[vector<16xi32>], vector<16xf32>,
        %max3A_636 = arith.maximumf %max3A_631, %gather3A_635 : vector<16xf32>
        %add3A_637 = arith.constant 6 : i32
        %add3A_638 = vector.broadcast %add3A_637 : i32 to vector<16xi32>
        %add3A_639 = arith.addi %add3A_607, %add3A_638 : vector<16xi32>
        %gather3A_640 = tpu.vector_load_idx %arg9[%add3A_639] : memref<20224xf32, #tpu.memory_space<vmem>>[vector<16xi32>], vector<16xf32>,
        %max3A_641 = arith.maximumf %max3A_636, %gather3A_640 : vector<16xf32>
        %add3A_642 = arith.constant 7 : i32
        %add3A_643 = vector.broadcast %add3A_642 : i32 to vector<16xi32>
        %add3A_644 = arith.addi %add3A_607, %add3A_643 : vector<16xi32>
        %gather3A_645 = tpu.vector_load_idx %arg9[%add3A_644] : memref<20224xf32, #tpu.memory_space<vmem>>[vector<16xi32>], vector<16xf32>,
        %max3A_646 = arith.maximumf %max3A_641, %gather3A_645 : vector<16xf32>
        %add3A_647 = arith.constant 8 : i32
        %add3A_648 = vector.broadcast %add3A_647 : i32 to vector<16xi32>
        %add3A_649 = arith.addi %add3A_607, %add3A_648 : vector<16xi32>
        %gather3A_650 = tpu.vector_load_idx %arg9[%add3A_649] : memref<20224xf32, #tpu.memory_space<vmem>>[vector<16xi32>], vector<16xf32>,
        %max3A_651 = arith.maximumf %max3A_646, %gather3A_650 : vector<16xf32>
        %add3A_652 = arith.constant 9 : i32
        %add3A_653 = vector.broadcast %add3A_652 : i32 to vector<16xi32>
        %add3A_654 = arith.addi %add3A_607, %add3A_653 : vector<16xi32>
        %gather3A_655 = tpu.vector_load_idx %arg9[%add3A_654] : memref<20224xf32, #tpu.memory_space<vmem>>[vector<16xi32>], vector<16xf32>,
        %max3A_656 = arith.maximumf %max3A_651, %gather3A_655 : vector<16xf32>
        %add3A_657 = arith.constant 10 : i32
        %add3A_658 = vector.broadcast %add3A_657 : i32 to vector<16xi32>
        %add3A_659 = arith.addi %add3A_607, %add3A_658 : vector<16xi32>
        %gather3A_660 = tpu.vector_load_idx %arg9[%add3A_659] : memref<20224xf32, #tpu.memory_space<vmem>>[vector<16xi32>], vector<16xf32>,
        %max3A_661 = arith.maximumf %max3A_656, %gather3A_660 : vector<16xf32>
        %add3A_662 = arith.constant 11 : i32
        %add3A_663 = vector.broadcast %add3A_662 : i32 to vector<16xi32>
        %add3A_664 = arith.addi %add3A_607, %add3A_663 : vector<16xi32>
        %gather3A_665 = tpu.vector_load_idx %arg9[%add3A_664] : memref<20224xf32, #tpu.memory_space<vmem>>[vector<16xi32>], vector<16xf32>,
        %max3A_666 = arith.maximumf %max3A_661, %gather3A_665 : vector<16xf32>
        %add3A_667 = arith.constant 12 : i32
        %add3A_668 = vector.broadcast %add3A_667 : i32 to vector<16xi32>
        %add3A_669 = arith.addi %add3A_607, %add3A_668 : vector<16xi32>
        %gather3A_670 = tpu.vector_load_idx %arg9[%add3A_669] : memref<20224xf32, #tpu.memory_space<vmem>>[vector<16xi32>], vector<16xf32>,
        %max3A_671 = arith.maximumf %max3A_666, %gather3A_670 : vector<16xf32>
        %add3A_672 = arith.constant 13 : i32
        %add3A_673 = vector.broadcast %add3A_672 : i32 to vector<16xi32>
        %add3A_674 = arith.addi %add3A_607, %add3A_673 : vector<16xi32>
        %gather3A_675 = tpu.vector_load_idx %arg9[%add3A_674] : memref<20224xf32, #tpu.memory_space<vmem>>[vector<16xi32>], vector<16xf32>,
        %max3A_676 = arith.maximumf %max3A_671, %gather3A_675 : vector<16xf32>
        %add3A_677 = arith.constant 14 : i32
        %add3A_678 = vector.broadcast %add3A_677 : i32 to vector<16xi32>
        %add3A_679 = arith.addi %add3A_607, %add3A_678 : vector<16xi32>
        %gather3A_680 = tpu.vector_load_idx %arg9[%add3A_679] : memref<20224xf32, #tpu.memory_space<vmem>>[vector<16xi32>], vector<16xf32>,
        %max3A_681 = arith.maximumf %max3A_676, %gather3A_680 : vector<16xf32>
        %add3A_682 = arith.constant 15 : i32
        %add3A_683 = vector.broadcast %add3A_682 : i32 to vector<16xi32>
        %add3A_684 = arith.addi %add3A_607, %add3A_683 : vector<16xi32>
        %gather3A_685 = tpu.vector_load_idx %arg9[%add3A_684] : memref<20224xf32, #tpu.memory_space<vmem>>[vector<16xi32>], vector<16xf32>,
        %max3A_686 = arith.maximumf %max3A_681, %gather3A_685 : vector<16xf32>
        %mul3A_687 = arith.constant 16 : i32
        %mul3A_688 = arith.muli %scan3A_599, %mul3A_687 : i32
        %swap3A_689 = arith.index_cast %mul3A_688 : i32 to index
        %swap3A_690 = tpu.vector_load %arg10[%swap3A_689] {strides = array<i32>} : memref<1280xf32, #tpu.memory_space<vmem>>, vector<16xf32>,
        tpu.vector_store %arg10[%swap3A_689], %max3A_686 {strides = array<i32>} : memref<1280xf32, #tpu.memory_space<vmem>>, vector<16xf32>,
        %scan3A_691 = arith.constant 0 : i32
        scf.yield %scan3A_691 : i32
      }
      %scan3A_40 = arith.constant 79 : i32
      %swap3A_41 = arith.constant 1264 : index
      %swap3A_42 = tpu.vector_load %arg10[%swap3A_41] {strides = array<i32>} : memref<1280xf32, #tpu.memory_space<vmem>>, vector<16xf32>,
      tpu.vector_store %arg10[%swap3A_41], %broadcast_in_dim3A_5 {strides = array<i32>} : memref<1280xf32, #tpu.memory_space<vmem>>, vector<16xf32>,
      %scan3A_43 = arith.constant 0 : i32
      %scan3A_44 = arith.constant 0 : i32
      %scan3A_45 = arith.constant 5 : i32
      %scan3A_46 = arith.addi %scan3A_44, %scan3A_45 : i32
      %scan3A_47 = arith.constant 1 : i32
      %scan3A_48 = scf.for %scan3A_599 = %scan3A_44 to %scan3A_46 step %scan3A_47 iter_args(%scan3A_600 = %scan3A_43) -> (i32)  : i32 {
        %mul3A_601 = arith.constant 16 : i32
        %mul3A_602 = vector.broadcast %mul3A_601 : i32 to vector<16xi32>
        %mul3A_603 = arith.muli %iota3A, %mul3A_602 : vector<16xi32>
        %mul3A_604 = arith.constant 256 : i32
        %mul3A_605 = arith.muli %scan3A_599, %mul3A_604 : i32
        %add3A_606 = vector.broadcast %mul3A_605 : i32 to vector<16xi32>
        %add3A_607 = arith.addi %mul3A_603, %add3A_606 : vector<16xi32>
        %add3A_608 = arith.constant 0 : i32
        %add3A_609 = vector.broadcast %add3A_608 : i32 to vector<16xi32>
        %add3A_610 = arith.addi %add3A_607, %add3A_609 : vector<16xi32>
        %gather3A_611 = tpu.vector_load_idx %arg10[%add3A_610] : memref<1280xf32, #tpu.memory_space<vmem>>[vector<16xi32>], vector<16xf32>,
        %max3A = arith.maximumf %broadcast_in_dim3A_5, %gather3A_611 : vector<16xf32>
        %add3A_612 = arith.constant 1 : i32
        %add3A_613 = vector.broadcast %add3A_612 : i32 to vector<16xi32>
        %add3A_614 = arith.addi %add3A_607, %add3A_613 : vector<16xi32>
        %gather3A_615 = tpu.vector_load_idx %arg10[%add3A_614] : memref<1280xf32, #tpu.memory_space<vmem>>[vector<16xi32>], vector<16xf32>,
        %max3A_616 = arith.maximumf %max3A, %gather3A_615 : vector<16xf32>
        %add3A_617 = arith.constant 2 : i32
        %add3A_618 = vector.broadcast %add3A_617 : i32 to vector<16xi32>
        %add3A_619 = arith.addi %add3A_607, %add3A_618 : vector<16xi32>
        %gather3A_620 = tpu.vector_load_idx %arg10[%add3A_619] : memref<1280xf32, #tpu.memory_space<vmem>>[vector<16xi32>], vector<16xf32>,
        %max3A_621 = arith.maximumf %max3A_616, %gather3A_620 : vector<16xf32>
        %add3A_622 = arith.constant 3 : i32
        %add3A_623 = vector.broadcast %add3A_622 : i32 to vector<16xi32>
        %add3A_624 = arith.addi %add3A_607, %add3A_623 : vector<16xi32>
        %gather3A_625 = tpu.vector_load_idx %arg10[%add3A_624] : memref<1280xf32, #tpu.memory_space<vmem>>[vector<16xi32>], vector<16xf32>,
        %max3A_626 = arith.maximumf %max3A_621, %gather3A_625 : vector<16xf32>
        %add3A_627 = arith.constant 4 : i32
        %add3A_628 = vector.broadcast %add3A_627 : i32 to vector<16xi32>
        %add3A_629 = arith.addi %add3A_607, %add3A_628 : vector<16xi32>
        %gather3A_630 = tpu.vector_load_idx %arg10[%add3A_629] : memref<1280xf32, #tpu.memory_space<vmem>>[vector<16xi32>], vector<16xf32>,
        %max3A_631 = arith.maximumf %max3A_626, %gather3A_630 : vector<16xf32>
        %add3A_632 = arith.constant 5 : i32
        %add3A_633 = vector.broadcast %add3A_632 : i32 to vector<16xi32>
        %add3A_634 = arith.addi %add3A_607, %add3A_633 : vector<16xi32>
        %gather3A_635 = tpu.vector_load_idx %arg10[%add3A_634] : memref<1280xf32, #tpu.memory_space<vmem>>[vector<16xi32>], vector<16xf32>,
        %max3A_636 = arith.maximumf %max3A_631, %gather3A_635 : vector<16xf32>
        %add3A_637 = arith.constant 6 : i32
        %add3A_638 = vector.broadcast %add3A_637 : i32 to vector<16xi32>
        %add3A_639 = arith.addi %add3A_607, %add3A_638 : vector<16xi32>
        %gather3A_640 = tpu.vector_load_idx %arg10[%add3A_639] : memref<1280xf32, #tpu.memory_space<vmem>>[vector<16xi32>], vector<16xf32>,
        %max3A_641 = arith.maximumf %max3A_636, %gather3A_640 : vector<16xf32>
        %add3A_642 = arith.constant 7 : i32
        %add3A_643 = vector.broadcast %add3A_642 : i32 to vector<16xi32>
        %add3A_644 = arith.addi %add3A_607, %add3A_643 : vector<16xi32>
        %gather3A_645 = tpu.vector_load_idx %arg10[%add3A_644] : memref<1280xf32, #tpu.memory_space<vmem>>[vector<16xi32>], vector<16xf32>,
        %max3A_646 = arith.maximumf %max3A_641, %gather3A_645 : vector<16xf32>
        %add3A_647 = arith.constant 8 : i32
        %add3A_648 = vector.broadcast %add3A_647 : i32 to vector<16xi32>
        %add3A_649 = arith.addi %add3A_607, %add3A_648 : vector<16xi32>
        %gather3A_650 = tpu.vector_load_idx %arg10[%add3A_649] : memref<1280xf32, #tpu.memory_space<vmem>>[vector<16xi32>], vector<16xf32>,
        %max3A_651 = arith.maximumf %max3A_646, %gather3A_650 : vector<16xf32>
        %add3A_652 = arith.constant 9 : i32
        %add3A_653 = vector.broadcast %add3A_652 : i32 to vector<16xi32>
        %add3A_654 = arith.addi %add3A_607, %add3A_653 : vector<16xi32>
        %gather3A_655 = tpu.vector_load_idx %arg10[%add3A_654] : memref<1280xf32, #tpu.memory_space<vmem>>[vector<16xi32>], vector<16xf32>,
        %max3A_656 = arith.maximumf %max3A_651, %gather3A_655 : vector<16xf32>
        %add3A_657 = arith.constant 10 : i32
        %add3A_658 = vector.broadcast %add3A_657 : i32 to vector<16xi32>
        %add3A_659 = arith.addi %add3A_607, %add3A_658 : vector<16xi32>
        %gather3A_660 = tpu.vector_load_idx %arg10[%add3A_659] : memref<1280xf32, #tpu.memory_space<vmem>>[vector<16xi32>], vector<16xf32>,
        %max3A_661 = arith.maximumf %max3A_656, %gather3A_660 : vector<16xf32>
        %add3A_662 = arith.constant 11 : i32
        %add3A_663 = vector.broadcast %add3A_662 : i32 to vector<16xi32>
        %add3A_664 = arith.addi %add3A_607, %add3A_663 : vector<16xi32>
        %gather3A_665 = tpu.vector_load_idx %arg10[%add3A_664] : memref<1280xf32, #tpu.memory_space<vmem>>[vector<16xi32>], vector<16xf32>,
        %max3A_666 = arith.maximumf %max3A_661, %gather3A_665 : vector<16xf32>
        %add3A_667 = arith.constant 12 : i32
        %add3A_668 = vector.broadcast %add3A_667 : i32 to vector<16xi32>
        %add3A_669 = arith.addi %add3A_607, %add3A_668 : vector<16xi32>
        %gather3A_670 = tpu.vector_load_idx %arg10[%add3A_669] : memref<1280xf32, #tpu.memory_space<vmem>>[vector<16xi32>], vector<16xf32>,
        %max3A_671 = arith.maximumf %max3A_666, %gather3A_670 : vector<16xf32>
        %add3A_672 = arith.constant 13 : i32
        %add3A_673 = vector.broadcast %add3A_672 : i32 to vector<16xi32>
        %add3A_674 = arith.addi %add3A_607, %add3A_673 : vector<16xi32>
        %gather3A_675 = tpu.vector_load_idx %arg10[%add3A_674] : memref<1280xf32, #tpu.memory_space<vmem>>[vector<16xi32>], vector<16xf32>,
        %max3A_676 = arith.maximumf %max3A_671, %gather3A_675 : vector<16xf32>
        %add3A_677 = arith.constant 14 : i32
        %add3A_678 = vector.broadcast %add3A_677 : i32 to vector<16xi32>
        %add3A_679 = arith.addi %add3A_607, %add3A_678 : vector<16xi32>
        %gather3A_680 = tpu.vector_load_idx %arg10[%add3A_679] : memref<1280xf32, #tpu.memory_space<vmem>>[vector<16xi32>], vector<16xf32>,
        %max3A_681 = arith.maximumf %max3A_676, %gather3A_680 : vector<16xf32>
        %add3A_682 = arith.constant 15 : i32
        %add3A_683 = vector.broadcast %add3A_682 : i32 to vector<16xi32>
        %add3A_684 = arith.addi %add3A_607, %add3A_683 : vector<16xi32>
        %gather3A_685 = tpu.vector_load_idx %arg10[%add3A_684] : memref<1280xf32, #tpu.memory_space<vmem>>[vector<16xi32>], vector<16xf32>,
        %max3A_686 = arith.maximumf %max3A_681, %gather3A_685 : vector<16xf32>
        %mul3A_687 = arith.constant 16 : i32
        %mul3A_688 = arith.muli %scan3A_599, %mul3A_687 : i32
        %swap3A_689 = arith.index_cast %mul3A_688 : i32 to index
        %swap3A_690 = tpu.vector_load %arg11[%swap3A_689] {strides = array<i32>} : memref<80xf32, #tpu.memory_space<vmem>>, vector<16xf32>,
        tpu.vector_store %arg11[%swap3A_689], %max3A_686 {strides = array<i32>} : memref<80xf32, #tpu.memory_space<vmem>>, vector<16xf32>,
        %scan3A_691 = arith.constant 0 : i32
        scf.yield %scan3A_691 : i32
      }
      %scan3A_49 = arith.constant 5 : i32
      %get3A = arith.constant 0 : index
      %get3A_50 = tpu.vector_load %arg11[%get3A] {strides = array<i32>} : memref<80xf32, #tpu.memory_space<vmem>>, vector<16xf32>,
      %reduce_max3A = arith.constant true
      %reduce_max3A_51 = vector.broadcast %reduce_max3A : i1 to vector<16xi1>
      %reduce_max3A_52 = tpu.scan <max>, %get3A_50 masked %reduce_max3A_51 : vector<16xf32>, vector<16xi1> -> vector<16xf32>
      %reduce_max3A_53 = vector.extract %reduce_max3A_52[15] : f32 from vector<16xf32>
      %eq3A = arith.constant 0 : i32
      %eq3A_54 = vector.broadcast %eq3A : i32 to vector<16xi32>
      %eq3A_55 = arith.cmpi eq, %iota3A, %eq3A_54 : vector<16xi32>
      %broadcast_in_dim3A_56 = vector.broadcast %reduce_max3A_53 : f32 to vector<16xf32>
      %select_n3A = arith.select %eq3A_55, %broadcast_in_dim3A_56, %broadcast_in_dim3A_5 : vector<16xi1>, vector<16xf32>
      %get3A_57 = arith.constant 16 : index
      %get3A_58 = tpu.vector_load %arg11[%get3A_57] {strides = array<i32>} : memref<80xf32, #tpu.memory_space<vmem>>, vector<16xf32>,
      %reduce_max3A_59 = arith.constant true
      %reduce_max3A_60 = vector.broadcast %reduce_max3A_59 : i1 to vector<16xi1>
      %reduce_max3A_61 = tpu.scan <max>, %get3A_58 masked %reduce_max3A_60 : vector<16xf32>, vector<16xi1> -> vector<16xf32>
      %reduce_max3A_62 = vector.extract %reduce_max3A_61[15] : f32 from vector<16xf32>
      %eq3A_63 = arith.constant 1 : i32
      %eq3A_64 = vector.broadcast %eq3A_63 : i32 to vector<16xi32>
      %eq3A_65 = arith.cmpi eq, %iota3A, %eq3A_64 : vector<16xi32>
      %broadcast_in_dim3A_66 = vector.broadcast %reduce_max3A_62 : f32 to vector<16xf32>
      %select_n3A_67 = arith.select %eq3A_65, %broadcast_in_dim3A_66, %select_n3A : vector<16xi1>, vector<16xf32>
      %get3A_68 = arith.constant 32 : index
      %get3A_69 = tpu.vector_load %arg11[%get3A_68] {strides = array<i32>} : memref<80xf32, #tpu.memory_space<vmem>>, vector<16xf32>,
      %reduce_max3A_70 = arith.constant true
      %reduce_max3A_71 = vector.broadcast %reduce_max3A_70 : i1 to vector<16xi1>
      %reduce_max3A_72 = tpu.scan <max>, %get3A_69 masked %reduce_max3A_71 : vector<16xf32>, vector<16xi1> -> vector<16xf32>
      %reduce_max3A_73 = vector.extract %reduce_max3A_72[15] : f32 from vector<16xf32>
      %eq3A_74 = arith.constant 2 : i32
      %eq3A_75 = vector.broadcast %eq3A_74 : i32 to vector<16xi32>
      %eq3A_76 = arith.cmpi eq, %iota3A, %eq3A_75 : vector<16xi32>
      %broadcast_in_dim3A_77 = vector.broadcast %reduce_max3A_73 : f32 to vector<16xf32>
      %select_n3A_78 = arith.select %eq3A_76, %broadcast_in_dim3A_77, %select_n3A_67 : vector<16xi1>, vector<16xf32>
      %get3A_79 = arith.constant 48 : index
      %get3A_80 = tpu.vector_load %arg11[%get3A_79] {strides = array<i32>} : memref<80xf32, #tpu.memory_space<vmem>>, vector<16xf32>,
      %reduce_max3A_81 = arith.constant true
      %reduce_max3A_82 = vector.broadcast %reduce_max3A_81 : i1 to vector<16xi1>
      %reduce_max3A_83 = tpu.scan <max>, %get3A_80 masked %reduce_max3A_82 : vector<16xf32>, vector<16xi1> -> vector<16xf32>
      %reduce_max3A_84 = vector.extract %reduce_max3A_83[15] : f32 from vector<16xf32>
      %eq3A_85 = arith.constant 3 : i32
      %eq3A_86 = vector.broadcast %eq3A_85 : i32 to vector<16xi32>
      %eq3A_87 = arith.cmpi eq, %iota3A, %eq3A_86 : vector<16xi32>
      %broadcast_in_dim3A_88 = vector.broadcast %reduce_max3A_84 : f32 to vector<16xf32>
      %select_n3A_89 = arith.select %eq3A_87, %broadcast_in_dim3A_88, %select_n3A_78 : vector<16xi1>, vector<16xf32>
      %get3A_90 = arith.constant 64 : index
      %get3A_91 = tpu.vector_load %arg11[%get3A_90] {strides = array<i32>} : memref<80xf32, #tpu.memory_space<vmem>>, vector<16xf32>,
      %reduce_max3A_92 = arith.constant true
      %reduce_max3A_93 = vector.broadcast %reduce_max3A_92 : i1 to vector<16xi1>
      %reduce_max3A_94 = tpu.scan <max>, %get3A_91 masked %reduce_max3A_93 : vector<16xf32>, vector<16xi1> -> vector<16xf32>
      %reduce_max3A_95 = vector.extract %reduce_max3A_94[15] : f32 from vector<16xf32>
      %eq3A_96 = arith.constant 4 : i32
      %eq3A_97 = vector.broadcast %eq3A_96 : i32 to vector<16xi32>
      %eq3A_98 = arith.cmpi eq, %iota3A, %eq3A_97 : vector<16xi32>
      %broadcast_in_dim3A_99 = vector.broadcast %reduce_max3A_95 : f32 to vector<16xf32>
      %select_n3A_100 = arith.select %eq3A_98, %broadcast_in_dim3A_99, %select_n3A_89 : vector<16xi1>, vector<16xf32>
      %swap3A_101 = arith.constant 0 : index
      %swap3A_102 = tpu.vector_load %arg12[%swap3A_101] {strides = array<i32>} : memref<16xf32, #tpu.memory_space<vmem>>, vector<16xf32>,
      tpu.vector_store %arg12[%swap3A_101], %select_n3A_100 {strides = array<i32>} : memref<16xf32, #tpu.memory_space<vmem>>, vector<16xf32>,
      %swap3A_103 = arith.constant 96 : index
      %swap3A_104 = tpu.vector_load %arg13[%swap3A_103] {strides = array<i32>} : memref<128xf32, #tpu.memory_space<vmem>>, vector<16xf32>,
      tpu.vector_store %arg13[%swap3A_103], %broadcast_in_dim3A_5 {strides = array<i32>} : memref<128xf32, #tpu.memory_space<vmem>>, vector<16xf32>,
      %swap3A_105 = arith.constant 112 : index
      %swap3A_106 = tpu.vector_load %arg13[%swap3A_105] {strides = array<i32>} : memref<128xf32, #tpu.memory_space<vmem>>, vector<16xf32>,
      tpu.vector_store %arg13[%swap3A_105], %broadcast_in_dim3A_5 {strides = array<i32>} : memref<128xf32, #tpu.memory_space<vmem>>, vector<16xf32>,
      %broadcast_in_dim3A_107 = arith.constant 0 : i32
      %broadcast_in_dim3A_108 = vector.broadcast %broadcast_in_dim3A_107 : i32 to vector<16xi32>
      %swap3A_109 = arith.constant 96 : index
      %swap3A_110 = tpu.vector_load %arg14[%swap3A_109] {strides = array<i32>} : memref<128xi32, #tpu.memory_space<vmem>>, vector<16xi32>,
      tpu.vector_store %arg14[%swap3A_109], %broadcast_in_dim3A_108 {strides = array<i32>} : memref<128xi32, #tpu.memory_space<vmem>>, vector<16xi32>,
      %swap3A_111 = arith.constant 112 : index
      %swap3A_112 = tpu.vector_load %arg14[%swap3A_111] {strides = array<i32>} : memref<128xi32, #tpu.memory_space<vmem>>, vector<16xi32>,
      tpu.vector_store %arg14[%swap3A_111], %broadcast_in_dim3A_108 {strides = array<i32>} : memref<128xi32, #tpu.memory_space<vmem>>, vector<16xi32>,
      %scan3A_113 = arith.constant 0 : i32
      %scan3A_114 = arith.constant 0 : i32
      %scan3A_115 = arith.constant 100 : i32
      %scan3A_116 = arith.addi %scan3A_114, %scan3A_115 : i32
      %scan3A_117 = arith.constant 1 : i32
      %scan3A_118 = scf.for %scan3A_599 = %scan3A_114 to %scan3A_116 step %scan3A_117 iter_args(%scan3A_600 = %scan3A_113) -> (i32)  : i32 {
        %get3A_601 = arith.constant 0 : index
        %get3A_602 = tpu.vector_load %arg12[%get3A_601] {strides = array<i32>} : memref<16xf32, #tpu.memory_space<vmem>>, vector<16xf32>,
        %reduce_max3A_603 = arith.constant true
        %reduce_max3A_604 = vector.broadcast %reduce_max3A_603 : i1 to vector<16xi1>
        %reduce_max3A_605 = tpu.scan <max>, %get3A_602 masked %reduce_max3A_604 : vector<16xf32>, vector<16xi1> -> vector<16xf32>
        %reduce_max3A_606 = vector.extract %reduce_max3A_605[15] : f32 from vector<16xf32>
        %eq3A_607 = vector.broadcast %reduce_max3A_606 : f32 to vector<16xf32>
        %eq3A_608 = arith.cmpf oeq, %get3A_602, %eq3A_607 : vector<16xf32>
        %all_reduce_ffs3A = tpu.all_reduce %eq3A_608 {dim = 0 : i64, kind = #tpu.reduction_kind<find_first_set>} : vector<16xi1> -> vector<16xi32>
        %slice3A = vector.extract_strided_slice %all_reduce_ffs3A {offsets = [0], sizes = [1], strides = [1]} : vector<16xi32> to vector<1xi32>
        %squeeze3A = vector.extract %slice3A[0] : i32 from vector<1xi32>
        %mul3A_609 = arith.constant 16 : i32
        %mul3A_610 = arith.muli %squeeze3A, %mul3A_609 : i32
        %get3A_611 = arith.index_cast %mul3A_610 : i32 to index
        %get3A_612 = tpu.vector_load %arg11[%get3A_611] {strides = array<i32>} : memref<80xf32, #tpu.memory_space<vmem>>, vector<16xf32>,
        %mul3A_613 = arith.constant 16 : i32
        %mul3A_614 = arith.muli %squeeze3A, %mul3A_613 : i32
        %eq3A_615 = vector.broadcast %reduce_max3A_606 : f32 to vector<16xf32>
        %eq3A_616 = arith.cmpf oeq, %get3A_612, %eq3A_615 : vector<16xf32>
        %all_reduce_ffs3A_617 = tpu.all_reduce %eq3A_616 {dim = 0 : i64, kind = #tpu.reduction_kind<find_first_set>} : vector<16xi1> -> vector<16xi32>
        %slice3A_618 = vector.extract_strided_slice %all_reduce_ffs3A_617 {offsets = [0], sizes = [1], strides = [1]} : vector<16xi32> to vector<1xi32>
        %squeeze3A_619 = vector.extract %slice3A_618[0] : i32 from vector<1xi32>
        %add3A_620 = arith.addi %mul3A_614, %squeeze3A_619 : i32
        %mul3A_621 = arith.constant 16 : i32
        %mul3A_622 = arith.muli %add3A_620, %mul3A_621 : i32
        %get3A_623 = arith.index_cast %mul3A_622 : i32 to index
        %get3A_624 = tpu.vector_load %arg10[%get3A_623] {strides = array<i32>} : memref<1280xf32, #tpu.memory_space<vmem>>, vector<16xf32>,
        %mul3A_625 = arith.constant 16 : i32
        %mul3A_626 = arith.muli %add3A_620, %mul3A_625 : i32
        %eq3A_627 = vector.broadcast %reduce_max3A_606 : f32 to vector<16xf32>
        %eq3A_628 = arith.cmpf oeq, %get3A_624, %eq3A_627 : vector<16xf32>
        %all_reduce_ffs3A_629 = tpu.all_reduce %eq3A_628 {dim = 0 : i64, kind = #tpu.reduction_kind<find_first_set>} : vector<16xi1> -> vector<16xi32>
        %slice3A_630 = vector.extract_strided_slice %all_reduce_ffs3A_629 {offsets = [0], sizes = [1], strides = [1]} : vector<16xi32> to vector<1xi32>
        %squeeze3A_631 = vector.extract %slice3A_630[0] : i32 from vector<1xi32>
        %add3A_632 = arith.addi %mul3A_626, %squeeze3A_631 : i32
        %mul3A_633 = arith.constant 16 : i32
        %mul3A_634 = arith.muli %add3A_632, %mul3A_633 : i32
        %get3A_635 = arith.index_cast %mul3A_634 : i32 to index
        %get3A_636 = tpu.vector_load %arg9[%get3A_635] {strides = array<i32>} : memref<20224xf32, #tpu.memory_space<vmem>>, vector<16xf32>,
        %eq3A_637 = vector.broadcast %reduce_max3A_606 : f32 to vector<16xf32>
        %eq3A_638 = arith.cmpf oeq, %get3A_636, %eq3A_637 : vector<16xf32>
        %all_reduce_ffs3A_639 = tpu.all_reduce %eq3A_638 {dim = 0 : i64, kind = #tpu.reduction_kind<find_first_set>} : vector<16xi1> -> vector<16xi32>
        %slice3A_640 = vector.extract_strided_slice %all_reduce_ffs3A_639 {offsets = [0], sizes = [1], strides = [1]} : vector<16xi32> to vector<1xi32>
        %squeeze3A_641 = vector.extract %slice3A_640[0] : i32 from vector<1xi32>
        %iota3A_642 = tpu.iota {dimensions = array<i32: 0>} : vector<16xi32>
        %broadcast_in_dim3A_643 = vector.broadcast %scan3A_599 : i32 to vector<16xi32>
        %broadcast_in_dim3A_644 = vector.broadcast %reduce_max3A_606 : f32 to vector<16xf32>
        %eq3A_645 = arith.constant 0 : i32
        %eq3A_646 = vector.broadcast %eq3A_645 : i32 to vector<16xi32>
        %eq3A_647 = arith.cmpi eq, %iota3A_642, %eq3A_646 : vector<16xi32>
        tpu.vector_store_idx %arg13[%broadcast_in_dim3A_643], %broadcast_in_dim3A_644 masked %eq3A_647 : memref<128xf32, #tpu.memory_space<vmem>>[vector<16xi32>], vector<16xf32>, vector<16xi1>
        %mul3A_648 = arith.constant 16 : i32
        %mul3A_649 = arith.muli %add3A_632, %mul3A_648 : i32
        %add3A_650 = arith.addi %mul3A_649, %squeeze3A_641 : i32
        %iota3A_651 = tpu.iota {dimensions = array<i32: 0>} : vector<16xi32>
        %broadcast_in_dim3A_652 = vector.broadcast %scan3A_599 : i32 to vector<16xi32>
        %broadcast_in_dim3A_653 = vector.broadcast %add3A_650 : i32 to vector<16xi32>
        %eq3A_654 = arith.constant 0 : i32
        %eq3A_655 = vector.broadcast %eq3A_654 : i32 to vector<16xi32>
        %eq3A_656 = arith.cmpi eq, %iota3A_651, %eq3A_655 : vector<16xi32>
        tpu.vector_store_idx %arg14[%broadcast_in_dim3A_652], %broadcast_in_dim3A_653 masked %eq3A_656 : memref<128xi32, #tpu.memory_space<vmem>>[vector<16xi32>], vector<16xi32>, vector<16xi1>
        %eq3A_657 = vector.broadcast %squeeze3A_641 : i32 to vector<16xi32>
        %eq3A_658 = arith.cmpi eq, %iota3A, %eq3A_657 : vector<16xi32>
        %jit3A_659 = arith.constant -1.000000e+00 : f32
        %broadcast_in_dim3A_660 = vector.broadcast %jit3A_659 : f32 to vector<16xf32>
        %select_n3A_661 = arith.select %eq3A_658, %broadcast_in_dim3A_660, %get3A_636 : vector<16xi1>, vector<16xf32>
        %mul3A_662 = arith.constant 16 : i32
        %mul3A_663 = arith.muli %add3A_632, %mul3A_662 : i32
        %swap3A_664 = arith.index_cast %mul3A_663 : i32 to index
        %swap3A_665 = tpu.vector_load %arg9[%swap3A_664] {strides = array<i32>} : memref<20224xf32, #tpu.memory_space<vmem>>, vector<16xf32>,
        tpu.vector_store %arg9[%swap3A_664], %select_n3A_661 {strides = array<i32>} : memref<20224xf32, #tpu.memory_space<vmem>>, vector<16xf32>,
        %mul3A_666 = arith.constant 16 : i32
        %mul3A_667 = arith.muli %add3A_620, %mul3A_666 : i32
        %sub3A_668 = arith.subi %add3A_632, %mul3A_667 : i32
        %eq3A_669 = vector.broadcast %sub3A_668 : i32 to vector<16xi32>
        %eq3A_670 = arith.cmpi eq, %iota3A, %eq3A_669 : vector<16xi32>
        %reduce_max3A_671 = arith.constant true
        %reduce_max3A_672 = vector.broadcast %reduce_max3A_671 : i1 to vector<16xi1>
        %reduce_max3A_673 = tpu.scan <max>, %select_n3A_661 masked %reduce_max3A_672 : vector<16xf32>, vector<16xi1> -> vector<16xf32>
        %reduce_max3A_674 = vector.extract %reduce_max3A_673[15] : f32 from vector<16xf32>
        %broadcast_in_dim3A_675 = vector.broadcast %reduce_max3A_674 : f32 to vector<16xf32>
        %select_n3A_676 = arith.select %eq3A_670, %broadcast_in_dim3A_675, %get3A_624 : vector<16xi1>, vector<16xf32>
        %mul3A_677 = arith.constant 16 : i32
        %mul3A_678 = arith.muli %add3A_620, %mul3A_677 : i32
        %swap3A_679 = arith.index_cast %mul3A_678 : i32 to index
        %swap3A_680 = tpu.vector_load %arg10[%swap3A_679] {strides = array<i32>} : memref<1280xf32, #tpu.memory_space<vmem>>, vector<16xf32>,
        tpu.vector_store %arg10[%swap3A_679], %select_n3A_676 {strides = array<i32>} : memref<1280xf32, #tpu.memory_space<vmem>>, vector<16xf32>,
        %mul3A_681 = arith.constant 16 : i32
        %mul3A_682 = arith.muli %squeeze3A, %mul3A_681 : i32
        %sub3A_683 = arith.subi %add3A_620, %mul3A_682 : i32
        %eq3A_684 = vector.broadcast %sub3A_683 : i32 to vector<16xi32>
        %eq3A_685 = arith.cmpi eq, %iota3A, %eq3A_684 : vector<16xi32>
        %reduce_max3A_686 = arith.constant true
        %reduce_max3A_687 = vector.broadcast %reduce_max3A_686 : i1 to vector<16xi1>
        %reduce_max3A_688 = tpu.scan <max>, %select_n3A_676 masked %reduce_max3A_687 : vector<16xf32>, vector<16xi1> -> vector<16xf32>
        %reduce_max3A_689 = vector.extract %reduce_max3A_688[15] : f32 from vector<16xf32>
        %broadcast_in_dim3A_690 = vector.broadcast %reduce_max3A_689 : f32 to vector<16xf32>
        %select_n3A_691 = arith.select %eq3A_685, %broadcast_in_dim3A_690, %get3A_612 : vector<16xi1>, vector<16xf32>
        %mul3A_692 = arith.constant 16 : i32
        %mul3A_693 = arith.muli %squeeze3A, %mul3A_692 : i32
        %swap3A_694 = arith.index_cast %mul3A_693 : i32 to index
        %swap3A_695 = tpu.vector_load %arg11[%swap3A_694] {strides = array<i32>} : memref<80xf32, #tpu.memory_space<vmem>>, vector<16xf32>,
        tpu.vector_store %arg11[%swap3A_694], %select_n3A_691 {strides = array<i32>} : memref<80xf32, #tpu.memory_space<vmem>>, vector<16xf32>,
        %eq3A_696 = vector.broadcast %squeeze3A : i32 to vector<16xi32>
        %eq3A_697 = arith.cmpi eq, %iota3A, %eq3A_696 : vector<16xi32>
        %reduce_max3A_698 = arith.constant true
        %reduce_max3A_699 = vector.broadcast %reduce_max3A_698 : i1 to vector<16xi1>
        %reduce_max3A_700 = tpu.scan <max>, %select_n3A_691 masked %reduce_max3A_699 : vector<16xf32>, vector<16xi1> -> vector<16xf32>
        %reduce_max3A_701 = vector.extract %reduce_max3A_700[15] : f32 from vector<16xf32>
        %broadcast_in_dim3A_702 = vector.broadcast %reduce_max3A_701 : f32 to vector<16xf32>
        %select_n3A_703 = arith.select %eq3A_697, %broadcast_in_dim3A_702, %get3A_602 : vector<16xi1>, vector<16xf32>
        %swap3A_704 = arith.constant 0 : index
        %swap3A_705 = tpu.vector_load %arg12[%swap3A_704] {strides = array<i32>} : memref<16xf32, #tpu.memory_space<vmem>>, vector<16xf32>,
        tpu.vector_store %arg12[%swap3A_704], %select_n3A_703 {strides = array<i32>} : memref<16xf32, #tpu.memory_space<vmem>>, vector<16xf32>,
        %scan3A_706 = arith.constant 0 : i32
        scf.yield %scan3A_706 : i32
      }
      %scan3A_119 = arith.constant 100 : i32
      %get3A_120 = arith.constant 0 : index
      %get3A_121 = tpu.vector_load %arg19[%get3A_120] {strides = array<i32>} : memref<16xf32, #tpu.memory_space<vmem>>, vector<16xf32>,
      %mul3A_122 = arith.constant 2 : i32
      %mul3A_123 = arith.muli %mul3A_122, %add3A : i32
      %eq3A_124 = vector.broadcast %mul3A_123 : i32 to vector<16xi32>
      %eq3A_125 = arith.cmpi eq, %iota3A, %eq3A_124 : vector<16xi32>
      %jit3A = arith.constant -1.000000e+30 : f32
      %broadcast_in_dim3A_126 = vector.broadcast %jit3A : f32 to vector<16xf32>
      %select_n3A_127 = arith.select %eq3A_125, %get3A_121, %broadcast_in_dim3A_126 : vector<16xi1>, vector<16xf32>
      %reduce_max3A_128 = arith.constant true
      %reduce_max3A_129 = vector.broadcast %reduce_max3A_128 : i1 to vector<16xi1>
      %reduce_max3A_130 = tpu.scan <max>, %select_n3A_127 masked %reduce_max3A_129 : vector<16xf32>, vector<16xi1> -> vector<16xf32>
      %reduce_max3A_131 = vector.extract %reduce_max3A_130[15] : f32 from vector<16xf32>
      %mul3A_132 = arith.constant 2 : i32
      %mul3A_133 = arith.muli %mul3A_132, %add3A : i32
      %add3A_134 = arith.constant 1 : i32
      %add3A_135 = arith.addi %mul3A_133, %add3A_134 : i32
      %eq3A_136 = vector.broadcast %add3A_135 : i32 to vector<16xi32>
      %eq3A_137 = arith.cmpi eq, %iota3A, %eq3A_136 : vector<16xi32>
      %jit3A_138 = arith.constant -1.000000e+30 : f32
      %broadcast_in_dim3A_139 = vector.broadcast %jit3A_138 : f32 to vector<16xf32>
      %select_n3A_140 = arith.select %eq3A_137, %get3A_121, %broadcast_in_dim3A_139 : vector<16xi1>, vector<16xf32>
      %reduce_max3A_141 = arith.constant true
      %reduce_max3A_142 = vector.broadcast %reduce_max3A_141 : i1 to vector<16xi1>
      %reduce_max3A_143 = tpu.scan <max>, %select_n3A_140 masked %reduce_max3A_142 : vector<16xf32>, vector<16xi1> -> vector<16xf32>
      %reduce_max3A_144 = vector.extract %reduce_max3A_143[15] : f32 from vector<16xf32>
      %get3A_145 = arith.constant 0 : index
      %get3A_146 = tpu.vector_load %arg14[%get3A_145] {strides = array<i32>} : memref<128xi32, #tpu.memory_space<vmem>>, vector<16xi32>,
      %gather3A = tpu.vector_load_idx %arg17[%get3A_146] : memref<20000xi32, #tpu.memory_space<vmem>>[vector<16xi32>], vector<16xi32>,
      %swap3A_147 = arith.constant 0 : index
      %swap3A_148 = tpu.vector_load %arg15[%swap3A_147] {strides = array<i32>} : memref<128xi32, #tpu.memory_space<vmem>>, vector<16xi32>,
      tpu.vector_store %arg15[%swap3A_147], %gather3A {strides = array<i32>} : memref<128xi32, #tpu.memory_space<vmem>>, vector<16xi32>,
      %gather3A_149 = tpu.vector_load_idx %arg18[%get3A_146] : memref<80000xf32, #tpu.memory_space<vmem>>[vector<16xi32>], vector<16xf32>,
      %add3A_150 = arith.constant 20000 : i32
      %add3A_151 = vector.broadcast %add3A_150 : i32 to vector<16xi32>
      %add3A_152 = arith.addi %get3A_146, %add3A_151 : vector<16xi32>
      %gather3A_153 = tpu.vector_load_idx %arg18[%add3A_152] : memref<80000xf32, #tpu.memory_space<vmem>>[vector<16xi32>], vector<16xf32>,
      %add3A_154 = arith.constant 40000 : i32
      %add3A_155 = vector.broadcast %add3A_154 : i32 to vector<16xi32>
      %add3A_156 = arith.addi %get3A_146, %add3A_155 : vector<16xi32>
      %gather3A_157 = tpu.vector_load_idx %arg18[%add3A_156] : memref<80000xf32, #tpu.memory_space<vmem>>[vector<16xi32>], vector<16xf32>,
      %add3A_158 = arith.constant 60000 : i32
      %add3A_159 = vector.broadcast %add3A_158 : i32 to vector<16xi32>
      %add3A_160 = arith.addi %get3A_146, %add3A_159 : vector<16xi32>
      %gather3A_161 = tpu.vector_load_idx %arg18[%add3A_160] : memref<80000xf32, #tpu.memory_space<vmem>>[vector<16xi32>], vector<16xf32>,
      %add3A_162 = arith.constant 0 : i32
      %add3A_163 = vector.broadcast %add3A_162 : i32 to vector<16xi32>
      %add3A_164 = arith.addi %iota3A, %add3A_163 : vector<16xi32>
      %mul3A_165 = arith.constant 4 : i32
      %mul3A_166 = vector.broadcast %mul3A_165 : i32 to vector<16xi32>
      %mul3A_167 = arith.muli %add3A_164, %mul3A_166 : vector<16xi32>
      %mul3A_168 = arith.constant 5.000000e-01 : f32
      %mul3A_169 = vector.broadcast %mul3A_168 : f32 to vector<16xf32>
      %mul3A_170 = arith.mulf %mul3A_169, %gather3A_157 : vector<16xf32>
      %sub3A = arith.subf %gather3A_149, %mul3A_170 : vector<16xf32>
      %mul3A_171 = vector.broadcast %reduce_max3A_144 : f32 to vector<16xf32>
      %mul3A_172 = arith.mulf %sub3A, %mul3A_171 : vector<16xf32>
      tpu.vector_store_idx %arg16[%mul3A_167], %mul3A_172 : memref<512xf32, #tpu.memory_space<vmem>>[vector<16xi32>], vector<16xf32>,
      %add3A_173 = arith.constant 1 : i32
      %add3A_174 = vector.broadcast %add3A_173 : i32 to vector<16xi32>
      %add3A_175 = arith.addi %mul3A_167, %add3A_174 : vector<16xi32>
      %mul3A_176 = arith.constant 5.000000e-01 : f32
      %mul3A_177 = vector.broadcast %mul3A_176 : f32 to vector<16xf32>
      %mul3A_178 = arith.mulf %mul3A_177, %gather3A_161 : vector<16xf32>
      %sub3A_179 = arith.subf %gather3A_153, %mul3A_178 : vector<16xf32>
      %mul3A_180 = vector.broadcast %reduce_max3A_131 : f32 to vector<16xf32>
      %mul3A_181 = arith.mulf %sub3A_179, %mul3A_180 : vector<16xf32>
      tpu.vector_store_idx %arg16[%add3A_175], %mul3A_181 : memref<512xf32, #tpu.memory_space<vmem>>[vector<16xi32>], vector<16xf32>,
      %add3A_182 = arith.constant 2 : i32
      %add3A_183 = vector.broadcast %add3A_182 : i32 to vector<16xi32>
      %add3A_184 = arith.addi %mul3A_167, %add3A_183 : vector<16xi32>
      %mul3A_185 = arith.constant 5.000000e-01 : f32
      %mul3A_186 = vector.broadcast %mul3A_185 : f32 to vector<16xf32>
      %mul3A_187 = arith.mulf %mul3A_186, %gather3A_157 : vector<16xf32>
      %add3A_188 = arith.addf %gather3A_149, %mul3A_187 : vector<16xf32>
      %mul3A_189 = vector.broadcast %reduce_max3A_144 : f32 to vector<16xf32>
      %mul3A_190 = arith.mulf %add3A_188, %mul3A_189 : vector<16xf32>
      tpu.vector_store_idx %arg16[%add3A_184], %mul3A_190 : memref<512xf32, #tpu.memory_space<vmem>>[vector<16xi32>], vector<16xf32>,
      %add3A_191 = arith.constant 3 : i32
      %add3A_192 = vector.broadcast %add3A_191 : i32 to vector<16xi32>
      %add3A_193 = arith.addi %mul3A_167, %add3A_192 : vector<16xi32>
      %mul3A_194 = arith.constant 5.000000e-01 : f32
      %mul3A_195 = vector.broadcast %mul3A_194 : f32 to vector<16xf32>
      %mul3A_196 = arith.mulf %mul3A_195, %gather3A_161 : vector<16xf32>
      %add3A_197 = arith.addf %gather3A_153, %mul3A_196 : vector<16xf32>
      %mul3A_198 = vector.broadcast %reduce_max3A_131 : f32 to vector<16xf32>
      %mul3A_199 = arith.mulf %add3A_197, %mul3A_198 : vector<16xf32>
      tpu.vector_store_idx %arg16[%add3A_193], %mul3A_199 : memref<512xf32, #tpu.memory_space<vmem>>[vector<16xi32>], vector<16xf32>,
      %get3A_200 = arith.constant 16 : index
      %get3A_201 = tpu.vector_load %arg14[%get3A_200] {strides = array<i32>} : memref<128xi32, #tpu.memory_space<vmem>>, vector<16xi32>,
      %gather3A_202 = tpu.vector_load_idx %arg17[%get3A_201] : memref<20000xi32, #tpu.memory_space<vmem>>[vector<16xi32>], vector<16xi32>,
      %swap3A_203 = arith.constant 16 : index
      %swap3A_204 = tpu.vector_load %arg15[%swap3A_203] {strides = array<i32>} : memref<128xi32, #tpu.memory_space<vmem>>, vector<16xi32>,
      tpu.vector_store %arg15[%swap3A_203], %gather3A_202 {strides = array<i32>} : memref<128xi32, #tpu.memory_space<vmem>>, vector<16xi32>,
      %gather3A_205 = tpu.vector_load_idx %arg18[%get3A_201] : memref<80000xf32, #tpu.memory_space<vmem>>[vector<16xi32>], vector<16xf32>,
      %add3A_206 = arith.constant 20000 : i32
      %add3A_207 = vector.broadcast %add3A_206 : i32 to vector<16xi32>
      %add3A_208 = arith.addi %get3A_201, %add3A_207 : vector<16xi32>
      %gather3A_209 = tpu.vector_load_idx %arg18[%add3A_208] : memref<80000xf32, #tpu.memory_space<vmem>>[vector<16xi32>], vector<16xf32>,
      %add3A_210 = arith.constant 40000 : i32
      %add3A_211 = vector.broadcast %add3A_210 : i32 to vector<16xi32>
      %add3A_212 = arith.addi %get3A_201, %add3A_211 : vector<16xi32>
      %gather3A_213 = tpu.vector_load_idx %arg18[%add3A_212] : memref<80000xf32, #tpu.memory_space<vmem>>[vector<16xi32>], vector<16xf32>,
      %add3A_214 = arith.constant 60000 : i32
      %add3A_215 = vector.broadcast %add3A_214 : i32 to vector<16xi32>
      %add3A_216 = arith.addi %get3A_201, %add3A_215 : vector<16xi32>
      %gather3A_217 = tpu.vector_load_idx %arg18[%add3A_216] : memref<80000xf32, #tpu.memory_space<vmem>>[vector<16xi32>], vector<16xf32>,
      %add3A_218 = arith.constant 16 : i32
      %add3A_219 = vector.broadcast %add3A_218 : i32 to vector<16xi32>
      %add3A_220 = arith.addi %iota3A, %add3A_219 : vector<16xi32>
      %mul3A_221 = arith.constant 4 : i32
      %mul3A_222 = vector.broadcast %mul3A_221 : i32 to vector<16xi32>
      %mul3A_223 = arith.muli %add3A_220, %mul3A_222 : vector<16xi32>
      %mul3A_224 = arith.constant 5.000000e-01 : f32
      %mul3A_225 = vector.broadcast %mul3A_224 : f32 to vector<16xf32>
      %mul3A_226 = arith.mulf %mul3A_225, %gather3A_213 : vector<16xf32>
      %sub3A_227 = arith.subf %gather3A_205, %mul3A_226 : vector<16xf32>
      %mul3A_228 = vector.broadcast %reduce_max3A_144 : f32 to vector<16xf32>
      %mul3A_229 = arith.mulf %sub3A_227, %mul3A_228 : vector<16xf32>
      tpu.vector_store_idx %arg16[%mul3A_223], %mul3A_229 : memref<512xf32, #tpu.memory_space<vmem>>[vector<16xi32>], vector<16xf32>,
      %add3A_230 = arith.constant 1 : i32
      %add3A_231 = vector.broadcast %add3A_230 : i32 to vector<16xi32>
      %add3A_232 = arith.addi %mul3A_223, %add3A_231 : vector<16xi32>
      %mul3A_233 = arith.constant 5.000000e-01 : f32
      %mul3A_234 = vector.broadcast %mul3A_233 : f32 to vector<16xf32>
      %mul3A_235 = arith.mulf %mul3A_234, %gather3A_217 : vector<16xf32>
      %sub3A_236 = arith.subf %gather3A_209, %mul3A_235 : vector<16xf32>
      %mul3A_237 = vector.broadcast %reduce_max3A_131 : f32 to vector<16xf32>
      %mul3A_238 = arith.mulf %sub3A_236, %mul3A_237 : vector<16xf32>
      tpu.vector_store_idx %arg16[%add3A_232], %mul3A_238 : memref<512xf32, #tpu.memory_space<vmem>>[vector<16xi32>], vector<16xf32>,
      %add3A_239 = arith.constant 2 : i32
      %add3A_240 = vector.broadcast %add3A_239 : i32 to vector<16xi32>
      %add3A_241 = arith.addi %mul3A_223, %add3A_240 : vector<16xi32>
      %mul3A_242 = arith.constant 5.000000e-01 : f32
      %mul3A_243 = vector.broadcast %mul3A_242 : f32 to vector<16xf32>
      %mul3A_244 = arith.mulf %mul3A_243, %gather3A_213 : vector<16xf32>
      %add3A_245 = arith.addf %gather3A_205, %mul3A_244 : vector<16xf32>
      %mul3A_246 = vector.broadcast %reduce_max3A_144 : f32 to vector<16xf32>
      %mul3A_247 = arith.mulf %add3A_245, %mul3A_246 : vector<16xf32>
      tpu.vector_store_idx %arg16[%add3A_241], %mul3A_247 : memref<512xf32, #tpu.memory_space<vmem>>[vector<16xi32>], vector<16xf32>,
      %add3A_248 = arith.constant 3 : i32
      %add3A_249 = vector.broadcast %add3A_248 : i32 to vector<16xi32>
      %add3A_250 = arith.addi %mul3A_223, %add3A_249 : vector<16xi32>
      %mul3A_251 = arith.constant 5.000000e-01 : f32
      %mul3A_252 = vector.broadcast %mul3A_251 : f32 to vector<16xf32>
      %mul3A_253 = arith.mulf %mul3A_252, %gather3A_217 : vector<16xf32>
      %add3A_254 = arith.addf %gather3A_209, %mul3A_253 : vector<16xf32>
      %mul3A_255 = vector.broadcast %reduce_max3A_131 : f32 to vector<16xf32>
      %mul3A_256 = arith.mulf %add3A_254, %mul3A_255 : vector<16xf32>
      tpu.vector_store_idx %arg16[%add3A_250], %mul3A_256 : memref<512xf32, #tpu.memory_space<vmem>>[vector<16xi32>], vector<16xf32>,
      %get3A_257 = arith.constant 32 : index
      %get3A_258 = tpu.vector_load %arg14[%get3A_257] {strides = array<i32>} : memref<128xi32, #tpu.memory_space<vmem>>, vector<16xi32>,
      %gather3A_259 = tpu.vector_load_idx %arg17[%get3A_258] : memref<20000xi32, #tpu.memory_space<vmem>>[vector<16xi32>], vector<16xi32>,
      %swap3A_260 = arith.constant 32 : index
      %swap3A_261 = tpu.vector_load %arg15[%swap3A_260] {strides = array<i32>} : memref<128xi32, #tpu.memory_space<vmem>>, vector<16xi32>,
      tpu.vector_store %arg15[%swap3A_260], %gather3A_259 {strides = array<i32>} : memref<128xi32, #tpu.memory_space<vmem>>, vector<16xi32>,
      %gather3A_262 = tpu.vector_load_idx %arg18[%get3A_258] : memref<80000xf32, #tpu.memory_space<vmem>>[vector<16xi32>], vector<16xf32>,
      %add3A_263 = arith.constant 20000 : i32
      %add3A_264 = vector.broadcast %add3A_263 : i32 to vector<16xi32>
      %add3A_265 = arith.addi %get3A_258, %add3A_264 : vector<16xi32>
      %gather3A_266 = tpu.vector_load_idx %arg18[%add3A_265] : memref<80000xf32, #tpu.memory_space<vmem>>[vector<16xi32>], vector<16xf32>,
      %add3A_267 = arith.constant 40000 : i32
      %add3A_268 = vector.broadcast %add3A_267 : i32 to vector<16xi32>
      %add3A_269 = arith.addi %get3A_258, %add3A_268 : vector<16xi32>
      %gather3A_270 = tpu.vector_load_idx %arg18[%add3A_269] : memref<80000xf32, #tpu.memory_space<vmem>>[vector<16xi32>], vector<16xf32>,
      %add3A_271 = arith.constant 60000 : i32
      %add3A_272 = vector.broadcast %add3A_271 : i32 to vector<16xi32>
      %add3A_273 = arith.addi %get3A_258, %add3A_272 : vector<16xi32>
      %gather3A_274 = tpu.vector_load_idx %arg18[%add3A_273] : memref<80000xf32, #tpu.memory_space<vmem>>[vector<16xi32>], vector<16xf32>,
      %add3A_275 = arith.constant 32 : i32
      %add3A_276 = vector.broadcast %add3A_275 : i32 to vector<16xi32>
      %add3A_277 = arith.addi %iota3A, %add3A_276 : vector<16xi32>
      %mul3A_278 = arith.constant 4 : i32
      %mul3A_279 = vector.broadcast %mul3A_278 : i32 to vector<16xi32>
      %mul3A_280 = arith.muli %add3A_277, %mul3A_279 : vector<16xi32>
      %mul3A_281 = arith.constant 5.000000e-01 : f32
      %mul3A_282 = vector.broadcast %mul3A_281 : f32 to vector<16xf32>
      %mul3A_283 = arith.mulf %mul3A_282, %gather3A_270 : vector<16xf32>
      %sub3A_284 = arith.subf %gather3A_262, %mul3A_283 : vector<16xf32>
      %mul3A_285 = vector.broadcast %reduce_max3A_144 : f32 to vector<16xf32>
      %mul3A_286 = arith.mulf %sub3A_284, %mul3A_285 : vector<16xf32>
      tpu.vector_store_idx %arg16[%mul3A_280], %mul3A_286 : memref<512xf32, #tpu.memory_space<vmem>>[vector<16xi32>], vector<16xf32>,
      %add3A_287 = arith.constant 1 : i32
      %add3A_288 = vector.broadcast %add3A_287 : i32 to vector<16xi32>
      %add3A_289 = arith.addi %mul3A_280, %add3A_288 : vector<16xi32>
      %mul3A_290 = arith.constant 5.000000e-01 : f32
      %mul3A_291 = vector.broadcast %mul3A_290 : f32 to vector<16xf32>
      %mul3A_292 = arith.mulf %mul3A_291, %gather3A_274 : vector<16xf32>
      %sub3A_293 = arith.subf %gather3A_266, %mul3A_292 : vector<16xf32>
      %mul3A_294 = vector.broadcast %reduce_max3A_131 : f32 to vector<16xf32>
      %mul3A_295 = arith.mulf %sub3A_293, %mul3A_294 : vector<16xf32>
      tpu.vector_store_idx %arg16[%add3A_289], %mul3A_295 : memref<512xf32, #tpu.memory_space<vmem>>[vector<16xi32>], vector<16xf32>,
      %add3A_296 = arith.constant 2 : i32
      %add3A_297 = vector.broadcast %add3A_296 : i32 to vector<16xi32>
      %add3A_298 = arith.addi %mul3A_280, %add3A_297 : vector<16xi32>
      %mul3A_299 = arith.constant 5.000000e-01 : f32
      %mul3A_300 = vector.broadcast %mul3A_299 : f32 to vector<16xf32>
      %mul3A_301 = arith.mulf %mul3A_300, %gather3A_270 : vector<16xf32>
      %add3A_302 = arith.addf %gather3A_262, %mul3A_301 : vector<16xf32>
      %mul3A_303 = vector.broadcast %reduce_max3A_144 : f32 to vector<16xf32>
      %mul3A_304 = arith.mulf %add3A_302, %mul3A_303 : vector<16xf32>
      tpu.vector_store_idx %arg16[%add3A_298], %mul3A_304 : memref<512xf32, #tpu.memory_space<vmem>>[vector<16xi32>], vector<16xf32>,
      %add3A_305 = arith.constant 3 : i32
      %add3A_306 = vector.broadcast %add3A_305 : i32 to vector<16xi32>
      %add3A_307 = arith.addi %mul3A_280, %add3A_306 : vector<16xi32>
      %mul3A_308 = arith.constant 5.000000e-01 : f32
      %mul3A_309 = vector.broadcast %mul3A_308 : f32 to vector<16xf32>
      %mul3A_310 = arith.mulf %mul3A_309, %gather3A_274 : vector<16xf32>
      %add3A_311 = arith.addf %gather3A_266, %mul3A_310 : vector<16xf32>
      %mul3A_312 = vector.broadcast %reduce_max3A_131 : f32 to vector<16xf32>
      %mul3A_313 = arith.mulf %add3A_311, %mul3A_312 : vector<16xf32>
      tpu.vector_store_idx %arg16[%add3A_307], %mul3A_313 : memref<512xf32, #tpu.memory_space<vmem>>[vector<16xi32>], vector<16xf32>,
      %get3A_314 = arith.constant 48 : index
      %get3A_315 = tpu.vector_load %arg14[%get3A_314] {strides = array<i32>} : memref<128xi32, #tpu.memory_space<vmem>>, vector<16xi32>,
      %gather3A_316 = tpu.vector_load_idx %arg17[%get3A_315] : memref<20000xi32, #tpu.memory_space<vmem>>[vector<16xi32>], vector<16xi32>,
      %swap3A_317 = arith.constant 48 : index
      %swap3A_318 = tpu.vector_load %arg15[%swap3A_317] {strides = array<i32>} : memref<128xi32, #tpu.memory_space<vmem>>, vector<16xi32>,
      tpu.vector_store %arg15[%swap3A_317], %gather3A_316 {strides = array<i32>} : memref<128xi32, #tpu.memory_space<vmem>>, vector<16xi32>,
      %gather3A_319 = tpu.vector_load_idx %arg18[%get3A_315] : memref<80000xf32, #tpu.memory_space<vmem>>[vector<16xi32>], vector<16xf32>,
      %add3A_320 = arith.constant 20000 : i32
      %add3A_321 = vector.broadcast %add3A_320 : i32 to vector<16xi32>
      %add3A_322 = arith.addi %get3A_315, %add3A_321 : vector<16xi32>
      %gather3A_323 = tpu.vector_load_idx %arg18[%add3A_322] : memref<80000xf32, #tpu.memory_space<vmem>>[vector<16xi32>], vector<16xf32>,
      %add3A_324 = arith.constant 40000 : i32
      %add3A_325 = vector.broadcast %add3A_324 : i32 to vector<16xi32>
      %add3A_326 = arith.addi %get3A_315, %add3A_325 : vector<16xi32>
      %gather3A_327 = tpu.vector_load_idx %arg18[%add3A_326] : memref<80000xf32, #tpu.memory_space<vmem>>[vector<16xi32>], vector<16xf32>,
      %add3A_328 = arith.constant 60000 : i32
      %add3A_329 = vector.broadcast %add3A_328 : i32 to vector<16xi32>
      %add3A_330 = arith.addi %get3A_315, %add3A_329 : vector<16xi32>
      %gather3A_331 = tpu.vector_load_idx %arg18[%add3A_330] : memref<80000xf32, #tpu.memory_space<vmem>>[vector<16xi32>], vector<16xf32>,
      %add3A_332 = arith.constant 48 : i32
      %add3A_333 = vector.broadcast %add3A_332 : i32 to vector<16xi32>
      %add3A_334 = arith.addi %iota3A, %add3A_333 : vector<16xi32>
      %mul3A_335 = arith.constant 4 : i32
      %mul3A_336 = vector.broadcast %mul3A_335 : i32 to vector<16xi32>
      %mul3A_337 = arith.muli %add3A_334, %mul3A_336 : vector<16xi32>
      %mul3A_338 = arith.constant 5.000000e-01 : f32
      %mul3A_339 = vector.broadcast %mul3A_338 : f32 to vector<16xf32>
      %mul3A_340 = arith.mulf %mul3A_339, %gather3A_327 : vector<16xf32>
      %sub3A_341 = arith.subf %gather3A_319, %mul3A_340 : vector<16xf32>
      %mul3A_342 = vector.broadcast %reduce_max3A_144 : f32 to vector<16xf32>
      %mul3A_343 = arith.mulf %sub3A_341, %mul3A_342 : vector<16xf32>
      tpu.vector_store_idx %arg16[%mul3A_337], %mul3A_343 : memref<512xf32, #tpu.memory_space<vmem>>[vector<16xi32>], vector<16xf32>,
      %add3A_344 = arith.constant 1 : i32
      %add3A_345 = vector.broadcast %add3A_344 : i32 to vector<16xi32>
      %add3A_346 = arith.addi %mul3A_337, %add3A_345 : vector<16xi32>
      %mul3A_347 = arith.constant 5.000000e-01 : f32
      %mul3A_348 = vector.broadcast %mul3A_347 : f32 to vector<16xf32>
      %mul3A_349 = arith.mulf %mul3A_348, %gather3A_331 : vector<16xf32>
      %sub3A_350 = arith.subf %gather3A_323, %mul3A_349 : vector<16xf32>
      %mul3A_351 = vector.broadcast %reduce_max3A_131 : f32 to vector<16xf32>
      %mul3A_352 = arith.mulf %sub3A_350, %mul3A_351 : vector<16xf32>
      tpu.vector_store_idx %arg16[%add3A_346], %mul3A_352 : memref<512xf32, #tpu.memory_space<vmem>>[vector<16xi32>], vector<16xf32>,
      %add3A_353 = arith.constant 2 : i32
      %add3A_354 = vector.broadcast %add3A_353 : i32 to vector<16xi32>
      %add3A_355 = arith.addi %mul3A_337, %add3A_354 : vector<16xi32>
      %mul3A_356 = arith.constant 5.000000e-01 : f32
      %mul3A_357 = vector.broadcast %mul3A_356 : f32 to vector<16xf32>
      %mul3A_358 = arith.mulf %mul3A_357, %gather3A_327 : vector<16xf32>
      %add3A_359 = arith.addf %gather3A_319, %mul3A_358 : vector<16xf32>
      %mul3A_360 = vector.broadcast %reduce_max3A_144 : f32 to vector<16xf32>
      %mul3A_361 = arith.mulf %add3A_359, %mul3A_360 : vector<16xf32>
      tpu.vector_store_idx %arg16[%add3A_355], %mul3A_361 : memref<512xf32, #tpu.memory_space<vmem>>[vector<16xi32>], vector<16xf32>,
      %add3A_362 = arith.constant 3 : i32
      %add3A_363 = vector.broadcast %add3A_362 : i32 to vector<16xi32>
      %add3A_364 = arith.addi %mul3A_337, %add3A_363 : vector<16xi32>
      %mul3A_365 = arith.constant 5.000000e-01 : f32
      %mul3A_366 = vector.broadcast %mul3A_365 : f32 to vector<16xf32>
      %mul3A_367 = arith.mulf %mul3A_366, %gather3A_331 : vector<16xf32>
      %add3A_368 = arith.addf %gather3A_323, %mul3A_367 : vector<16xf32>
      %mul3A_369 = vector.broadcast %reduce_max3A_131 : f32 to vector<16xf32>
      %mul3A_370 = arith.mulf %add3A_368, %mul3A_369 : vector<16xf32>
      tpu.vector_store_idx %arg16[%add3A_364], %mul3A_370 : memref<512xf32, #tpu.memory_space<vmem>>[vector<16xi32>], vector<16xf32>,
      %get3A_371 = arith.constant 64 : index
      %get3A_372 = tpu.vector_load %arg14[%get3A_371] {strides = array<i32>} : memref<128xi32, #tpu.memory_space<vmem>>, vector<16xi32>,
      %gather3A_373 = tpu.vector_load_idx %arg17[%get3A_372] : memref<20000xi32, #tpu.memory_space<vmem>>[vector<16xi32>], vector<16xi32>,
      %swap3A_374 = arith.constant 64 : index
      %swap3A_375 = tpu.vector_load %arg15[%swap3A_374] {strides = array<i32>} : memref<128xi32, #tpu.memory_space<vmem>>, vector<16xi32>,
      tpu.vector_store %arg15[%swap3A_374], %gather3A_373 {strides = array<i32>} : memref<128xi32, #tpu.memory_space<vmem>>, vector<16xi32>,
      %gather3A_376 = tpu.vector_load_idx %arg18[%get3A_372] : memref<80000xf32, #tpu.memory_space<vmem>>[vector<16xi32>], vector<16xf32>,
      %add3A_377 = arith.constant 20000 : i32
      %add3A_378 = vector.broadcast %add3A_377 : i32 to vector<16xi32>
      %add3A_379 = arith.addi %get3A_372, %add3A_378 : vector<16xi32>
      %gather3A_380 = tpu.vector_load_idx %arg18[%add3A_379] : memref<80000xf32, #tpu.memory_space<vmem>>[vector<16xi32>], vector<16xf32>,
      %add3A_381 = arith.constant 40000 : i32
      %add3A_382 = vector.broadcast %add3A_381 : i32 to vector<16xi32>
      %add3A_383 = arith.addi %get3A_372, %add3A_382 : vector<16xi32>
      %gather3A_384 = tpu.vector_load_idx %arg18[%add3A_383] : memref<80000xf32, #tpu.memory_space<vmem>>[vector<16xi32>], vector<16xf32>,
      %add3A_385 = arith.constant 60000 : i32
      %add3A_386 = vector.broadcast %add3A_385 : i32 to vector<16xi32>
      %add3A_387 = arith.addi %get3A_372, %add3A_386 : vector<16xi32>
      %gather3A_388 = tpu.vector_load_idx %arg18[%add3A_387] : memref<80000xf32, #tpu.memory_space<vmem>>[vector<16xi32>], vector<16xf32>,
      %add3A_389 = arith.constant 64 : i32
      %add3A_390 = vector.broadcast %add3A_389 : i32 to vector<16xi32>
      %add3A_391 = arith.addi %iota3A, %add3A_390 : vector<16xi32>
      %mul3A_392 = arith.constant 4 : i32
      %mul3A_393 = vector.broadcast %mul3A_392 : i32 to vector<16xi32>
      %mul3A_394 = arith.muli %add3A_391, %mul3A_393 : vector<16xi32>
      %mul3A_395 = arith.constant 5.000000e-01 : f32
      %mul3A_396 = vector.broadcast %mul3A_395 : f32 to vector<16xf32>
      %mul3A_397 = arith.mulf %mul3A_396, %gather3A_384 : vector<16xf32>
      %sub3A_398 = arith.subf %gather3A_376, %mul3A_397 : vector<16xf32>
      %mul3A_399 = vector.broadcast %reduce_max3A_144 : f32 to vector<16xf32>
      %mul3A_400 = arith.mulf %sub3A_398, %mul3A_399 : vector<16xf32>
      tpu.vector_store_idx %arg16[%mul3A_394], %mul3A_400 : memref<512xf32, #tpu.memory_space<vmem>>[vector<16xi32>], vector<16xf32>,
      %add3A_401 = arith.constant 1 : i32
      %add3A_402 = vector.broadcast %add3A_401 : i32 to vector<16xi32>
      %add3A_403 = arith.addi %mul3A_394, %add3A_402 : vector<16xi32>
      %mul3A_404 = arith.constant 5.000000e-01 : f32
      %mul3A_405 = vector.broadcast %mul3A_404 : f32 to vector<16xf32>
      %mul3A_406 = arith.mulf %mul3A_405, %gather3A_388 : vector<16xf32>
      %sub3A_407 = arith.subf %gather3A_380, %mul3A_406 : vector<16xf32>
      %mul3A_408 = vector.broadcast %reduce_max3A_131 : f32 to vector<16xf32>
      %mul3A_409 = arith.mulf %sub3A_407, %mul3A_408 : vector<16xf32>
      tpu.vector_store_idx %arg16[%add3A_403], %mul3A_409 : memref<512xf32, #tpu.memory_space<vmem>>[vector<16xi32>], vector<16xf32>,
      %add3A_410 = arith.constant 2 : i32
      %add3A_411 = vector.broadcast %add3A_410 : i32 to vector<16xi32>
      %add3A_412 = arith.addi %mul3A_394, %add3A_411 : vector<16xi32>
      %mul3A_413 = arith.constant 5.000000e-01 : f32
      %mul3A_414 = vector.broadcast %mul3A_413 : f32 to vector<16xf32>
      %mul3A_415 = arith.mulf %mul3A_414, %gather3A_384 : vector<16xf32>
      %add3A_416 = arith.addf %gather3A_376, %mul3A_415 : vector<16xf32>
      %mul3A_417 = vector.broadcast %reduce_max3A_144 : f32 to vector<16xf32>
      %mul3A_418 = arith.mulf %add3A_416, %mul3A_417 : vector<16xf32>
      tpu.vector_store_idx %arg16[%add3A_412], %mul3A_418 : memref<512xf32, #tpu.memory_space<vmem>>[vector<16xi32>], vector<16xf32>,
      %add3A_419 = arith.constant 3 : i32
      %add3A_420 = vector.broadcast %add3A_419 : i32 to vector<16xi32>
      %add3A_421 = arith.addi %mul3A_394, %add3A_420 : vector<16xi32>
      %mul3A_422 = arith.constant 5.000000e-01 : f32
      %mul3A_423 = vector.broadcast %mul3A_422 : f32 to vector<16xf32>
      %mul3A_424 = arith.mulf %mul3A_423, %gather3A_388 : vector<16xf32>
      %add3A_425 = arith.addf %gather3A_380, %mul3A_424 : vector<16xf32>
      %mul3A_426 = vector.broadcast %reduce_max3A_131 : f32 to vector<16xf32>
      %mul3A_427 = arith.mulf %add3A_425, %mul3A_426 : vector<16xf32>
      tpu.vector_store_idx %arg16[%add3A_421], %mul3A_427 : memref<512xf32, #tpu.memory_space<vmem>>[vector<16xi32>], vector<16xf32>,
      %get3A_428 = arith.constant 80 : index
      %get3A_429 = tpu.vector_load %arg14[%get3A_428] {strides = array<i32>} : memref<128xi32, #tpu.memory_space<vmem>>, vector<16xi32>,
      %gather3A_430 = tpu.vector_load_idx %arg17[%get3A_429] : memref<20000xi32, #tpu.memory_space<vmem>>[vector<16xi32>], vector<16xi32>,
      %swap3A_431 = arith.constant 80 : index
      %swap3A_432 = tpu.vector_load %arg15[%swap3A_431] {strides = array<i32>} : memref<128xi32, #tpu.memory_space<vmem>>, vector<16xi32>,
      tpu.vector_store %arg15[%swap3A_431], %gather3A_430 {strides = array<i32>} : memref<128xi32, #tpu.memory_space<vmem>>, vector<16xi32>,
      %gather3A_433 = tpu.vector_load_idx %arg18[%get3A_429] : memref<80000xf32, #tpu.memory_space<vmem>>[vector<16xi32>], vector<16xf32>,
      %add3A_434 = arith.constant 20000 : i32
      %add3A_435 = vector.broadcast %add3A_434 : i32 to vector<16xi32>
      %add3A_436 = arith.addi %get3A_429, %add3A_435 : vector<16xi32>
      %gather3A_437 = tpu.vector_load_idx %arg18[%add3A_436] : memref<80000xf32, #tpu.memory_space<vmem>>[vector<16xi32>], vector<16xf32>,
      %add3A_438 = arith.constant 40000 : i32
      %add3A_439 = vector.broadcast %add3A_438 : i32 to vector<16xi32>
      %add3A_440 = arith.addi %get3A_429, %add3A_439 : vector<16xi32>
      %gather3A_441 = tpu.vector_load_idx %arg18[%add3A_440] : memref<80000xf32, #tpu.memory_space<vmem>>[vector<16xi32>], vector<16xf32>,
      %add3A_442 = arith.constant 60000 : i32
      %add3A_443 = vector.broadcast %add3A_442 : i32 to vector<16xi32>
      %add3A_444 = arith.addi %get3A_429, %add3A_443 : vector<16xi32>
      %gather3A_445 = tpu.vector_load_idx %arg18[%add3A_444] : memref<80000xf32, #tpu.memory_space<vmem>>[vector<16xi32>], vector<16xf32>,
      %add3A_446 = arith.constant 80 : i32
      %add3A_447 = vector.broadcast %add3A_446 : i32 to vector<16xi32>
      %add3A_448 = arith.addi %iota3A, %add3A_447 : vector<16xi32>
      %mul3A_449 = arith.constant 4 : i32
      %mul3A_450 = vector.broadcast %mul3A_449 : i32 to vector<16xi32>
      %mul3A_451 = arith.muli %add3A_448, %mul3A_450 : vector<16xi32>
      %mul3A_452 = arith.constant 5.000000e-01 : f32
      %mul3A_453 = vector.broadcast %mul3A_452 : f32 to vector<16xf32>
      %mul3A_454 = arith.mulf %mul3A_453, %gather3A_441 : vector<16xf32>
      %sub3A_455 = arith.subf %gather3A_433, %mul3A_454 : vector<16xf32>
      %mul3A_456 = vector.broadcast %reduce_max3A_144 : f32 to vector<16xf32>
      %mul3A_457 = arith.mulf %sub3A_455, %mul3A_456 : vector<16xf32>
      tpu.vector_store_idx %arg16[%mul3A_451], %mul3A_457 : memref<512xf32, #tpu.memory_space<vmem>>[vector<16xi32>], vector<16xf32>,
      %add3A_458 = arith.constant 1 : i32
      %add3A_459 = vector.broadcast %add3A_458 : i32 to vector<16xi32>
      %add3A_460 = arith.addi %mul3A_451, %add3A_459 : vector<16xi32>
      %mul3A_461 = arith.constant 5.000000e-01 : f32
      %mul3A_462 = vector.broadcast %mul3A_461 : f32 to vector<16xf32>
      %mul3A_463 = arith.mulf %mul3A_462, %gather3A_445 : vector<16xf32>
      %sub3A_464 = arith.subf %gather3A_437, %mul3A_463 : vector<16xf32>
      %mul3A_465 = vector.broadcast %reduce_max3A_131 : f32 to vector<16xf32>
      %mul3A_466 = arith.mulf %sub3A_464, %mul3A_465 : vector<16xf32>
      tpu.vector_store_idx %arg16[%add3A_460], %mul3A_466 : memref<512xf32, #tpu.memory_space<vmem>>[vector<16xi32>], vector<16xf32>,
      %add3A_467 = arith.constant 2 : i32
      %add3A_468 = vector.broadcast %add3A_467 : i32 to vector<16xi32>
      %add3A_469 = arith.addi %mul3A_451, %add3A_468 : vector<16xi32>
      %mul3A_470 = arith.constant 5.000000e-01 : f32
      %mul3A_471 = vector.broadcast %mul3A_470 : f32 to vector<16xf32>
      %mul3A_472 = arith.mulf %mul3A_471, %gather3A_441 : vector<16xf32>
      %add3A_473 = arith.addf %gather3A_433, %mul3A_472 : vector<16xf32>
      %mul3A_474 = vector.broadcast %reduce_max3A_144 : f32 to vector<16xf32>
      %mul3A_475 = arith.mulf %add3A_473, %mul3A_474 : vector<16xf32>
      tpu.vector_store_idx %arg16[%add3A_469], %mul3A_475 : memref<512xf32, #tpu.memory_space<vmem>>[vector<16xi32>], vector<16xf32>,
      %add3A_476 = arith.constant 3 : i32
      %add3A_477 = vector.broadcast %add3A_476 : i32 to vector<16xi32>
      %add3A_478 = arith.addi %mul3A_451, %add3A_477 : vector<16xi32>
      %mul3A_479 = arith.constant 5.000000e-01 : f32
      %mul3A_480 = vector.broadcast %mul3A_479 : f32 to vector<16xf32>
      %mul3A_481 = arith.mulf %mul3A_480, %gather3A_445 : vector<16xf32>
      %add3A_482 = arith.addf %gather3A_437, %mul3A_481 : vector<16xf32>
      %mul3A_483 = vector.broadcast %reduce_max3A_131 : f32 to vector<16xf32>
      %mul3A_484 = arith.mulf %add3A_482, %mul3A_483 : vector<16xf32>
      tpu.vector_store_idx %arg16[%add3A_478], %mul3A_484 : memref<512xf32, #tpu.memory_space<vmem>>[vector<16xi32>], vector<16xf32>,
      %get3A_485 = arith.constant 96 : index
      %get3A_486 = tpu.vector_load %arg14[%get3A_485] {strides = array<i32>} : memref<128xi32, #tpu.memory_space<vmem>>, vector<16xi32>,
      %gather3A_487 = tpu.vector_load_idx %arg17[%get3A_486] : memref<20000xi32, #tpu.memory_space<vmem>>[vector<16xi32>], vector<16xi32>,
      %swap3A_488 = arith.constant 96 : index
      %swap3A_489 = tpu.vector_load %arg15[%swap3A_488] {strides = array<i32>} : memref<128xi32, #tpu.memory_space<vmem>>, vector<16xi32>,
      tpu.vector_store %arg15[%swap3A_488], %gather3A_487 {strides = array<i32>} : memref<128xi32, #tpu.memory_space<vmem>>, vector<16xi32>,
      %gather3A_490 = tpu.vector_load_idx %arg18[%get3A_486] : memref<80000xf32, #tpu.memory_space<vmem>>[vector<16xi32>], vector<16xf32>,
      %add3A_491 = arith.constant 20000 : i32
      %add3A_492 = vector.broadcast %add3A_491 : i32 to vector<16xi32>
      %add3A_493 = arith.addi %get3A_486, %add3A_492 : vector<16xi32>
      %gather3A_494 = tpu.vector_load_idx %arg18[%add3A_493] : memref<80000xf32, #tpu.memory_space<vmem>>[vector<16xi32>], vector<16xf32>,
      %add3A_495 = arith.constant 40000 : i32
      %add3A_496 = vector.broadcast %add3A_495 : i32 to vector<16xi32>
      %add3A_497 = arith.addi %get3A_486, %add3A_496 : vector<16xi32>
      %gather3A_498 = tpu.vector_load_idx %arg18[%add3A_497] : memref<80000xf32, #tpu.memory_space<vmem>>[vector<16xi32>], vector<16xf32>,
      %add3A_499 = arith.constant 60000 : i32
      %add3A_500 = vector.broadcast %add3A_499 : i32 to vector<16xi32>
      %add3A_501 = arith.addi %get3A_486, %add3A_500 : vector<16xi32>
      %gather3A_502 = tpu.vector_load_idx %arg18[%add3A_501] : memref<80000xf32, #tpu.memory_space<vmem>>[vector<16xi32>], vector<16xf32>,
      %add3A_503 = arith.constant 96 : i32
      %add3A_504 = vector.broadcast %add3A_503 : i32 to vector<16xi32>
      %add3A_505 = arith.addi %iota3A, %add3A_504 : vector<16xi32>
      %mul3A_506 = arith.constant 4 : i32
      %mul3A_507 = vector.broadcast %mul3A_506 : i32 to vector<16xi32>
      %mul3A_508 = arith.muli %add3A_505, %mul3A_507 : vector<16xi32>
      %mul3A_509 = arith.constant 5.000000e-01 : f32
      %mul3A_510 = vector.broadcast %mul3A_509 : f32 to vector<16xf32>
      %mul3A_511 = arith.mulf %mul3A_510, %gather3A_498 : vector<16xf32>
      %sub3A_512 = arith.subf %gather3A_490, %mul3A_511 : vector<16xf32>
      %mul3A_513 = vector.broadcast %reduce_max3A_144 : f32 to vector<16xf32>
      %mul3A_514 = arith.mulf %sub3A_512, %mul3A_513 : vector<16xf32>
      tpu.vector_store_idx %arg16[%mul3A_508], %mul3A_514 : memref<512xf32, #tpu.memory_space<vmem>>[vector<16xi32>], vector<16xf32>,
      %add3A_515 = arith.constant 1 : i32
      %add3A_516 = vector.broadcast %add3A_515 : i32 to vector<16xi32>
      %add3A_517 = arith.addi %mul3A_508, %add3A_516 : vector<16xi32>
      %mul3A_518 = arith.constant 5.000000e-01 : f32
      %mul3A_519 = vector.broadcast %mul3A_518 : f32 to vector<16xf32>
      %mul3A_520 = arith.mulf %mul3A_519, %gather3A_502 : vector<16xf32>
      %sub3A_521 = arith.subf %gather3A_494, %mul3A_520 : vector<16xf32>
      %mul3A_522 = vector.broadcast %reduce_max3A_131 : f32 to vector<16xf32>
      %mul3A_523 = arith.mulf %sub3A_521, %mul3A_522 : vector<16xf32>
      tpu.vector_store_idx %arg16[%add3A_517], %mul3A_523 : memref<512xf32, #tpu.memory_space<vmem>>[vector<16xi32>], vector<16xf32>,
      %add3A_524 = arith.constant 2 : i32
      %add3A_525 = vector.broadcast %add3A_524 : i32 to vector<16xi32>
      %add3A_526 = arith.addi %mul3A_508, %add3A_525 : vector<16xi32>
      %mul3A_527 = arith.constant 5.000000e-01 : f32
      %mul3A_528 = vector.broadcast %mul3A_527 : f32 to vector<16xf32>
      %mul3A_529 = arith.mulf %mul3A_528, %gather3A_498 : vector<16xf32>
      %add3A_530 = arith.addf %gather3A_490, %mul3A_529 : vector<16xf32>
      %mul3A_531 = vector.broadcast %reduce_max3A_144 : f32 to vector<16xf32>
      %mul3A_532 = arith.mulf %add3A_530, %mul3A_531 : vector<16xf32>
      tpu.vector_store_idx %arg16[%add3A_526], %mul3A_532 : memref<512xf32, #tpu.memory_space<vmem>>[vector<16xi32>], vector<16xf32>,
      %add3A_533 = arith.constant 3 : i32
      %add3A_534 = vector.broadcast %add3A_533 : i32 to vector<16xi32>
      %add3A_535 = arith.addi %mul3A_508, %add3A_534 : vector<16xi32>
      %mul3A_536 = arith.constant 5.000000e-01 : f32
      %mul3A_537 = vector.broadcast %mul3A_536 : f32 to vector<16xf32>
      %mul3A_538 = arith.mulf %mul3A_537, %gather3A_502 : vector<16xf32>
      %add3A_539 = arith.addf %gather3A_494, %mul3A_538 : vector<16xf32>
      %mul3A_540 = vector.broadcast %reduce_max3A_131 : f32 to vector<16xf32>
      %mul3A_541 = arith.mulf %add3A_539, %mul3A_540 : vector<16xf32>
      tpu.vector_store_idx %arg16[%add3A_535], %mul3A_541 : memref<512xf32, #tpu.memory_space<vmem>>[vector<16xi32>], vector<16xf32>,
      %get3A_542 = arith.constant 112 : index
      %get3A_543 = tpu.vector_load %arg14[%get3A_542] {strides = array<i32>} : memref<128xi32, #tpu.memory_space<vmem>>, vector<16xi32>,
      %gather3A_544 = tpu.vector_load_idx %arg17[%get3A_543] : memref<20000xi32, #tpu.memory_space<vmem>>[vector<16xi32>], vector<16xi32>,
      %swap3A_545 = arith.constant 112 : index
      %swap3A_546 = tpu.vector_load %arg15[%swap3A_545] {strides = array<i32>} : memref<128xi32, #tpu.memory_space<vmem>>, vector<16xi32>,
      tpu.vector_store %arg15[%swap3A_545], %gather3A_544 {strides = array<i32>} : memref<128xi32, #tpu.memory_space<vmem>>, vector<16xi32>,
      %gather3A_547 = tpu.vector_load_idx %arg18[%get3A_543] : memref<80000xf32, #tpu.memory_space<vmem>>[vector<16xi32>], vector<16xf32>,
      %add3A_548 = arith.constant 20000 : i32
      %add3A_549 = vector.broadcast %add3A_548 : i32 to vector<16xi32>
      %add3A_550 = arith.addi %get3A_543, %add3A_549 : vector<16xi32>
      %gather3A_551 = tpu.vector_load_idx %arg18[%add3A_550] : memref<80000xf32, #tpu.memory_space<vmem>>[vector<16xi32>], vector<16xf32>,
      %add3A_552 = arith.constant 40000 : i32
      %add3A_553 = vector.broadcast %add3A_552 : i32 to vector<16xi32>
      %add3A_554 = arith.addi %get3A_543, %add3A_553 : vector<16xi32>
      %gather3A_555 = tpu.vector_load_idx %arg18[%add3A_554] : memref<80000xf32, #tpu.memory_space<vmem>>[vector<16xi32>], vector<16xf32>,
      %add3A_556 = arith.constant 60000 : i32
      %add3A_557 = vector.broadcast %add3A_556 : i32 to vector<16xi32>
      %add3A_558 = arith.addi %get3A_543, %add3A_557 : vector<16xi32>
      %gather3A_559 = tpu.vector_load_idx %arg18[%add3A_558] : memref<80000xf32, #tpu.memory_space<vmem>>[vector<16xi32>], vector<16xf32>,
      %add3A_560 = arith.constant 112 : i32
      %add3A_561 = vector.broadcast %add3A_560 : i32 to vector<16xi32>
      %add3A_562 = arith.addi %iota3A, %add3A_561 : vector<16xi32>
      %mul3A_563 = arith.constant 4 : i32
      %mul3A_564 = vector.broadcast %mul3A_563 : i32 to vector<16xi32>
      %mul3A_565 = arith.muli %add3A_562, %mul3A_564 : vector<16xi32>
      %mul3A_566 = arith.constant 5.000000e-01 : f32
      %mul3A_567 = vector.broadcast %mul3A_566 : f32 to vector<16xf32>
      %mul3A_568 = arith.mulf %mul3A_567, %gather3A_555 : vector<16xf32>
      %sub3A_569 = arith.subf %gather3A_547, %mul3A_568 : vector<16xf32>
      %mul3A_570 = vector.broadcast %reduce_max3A_144 : f32 to vector<16xf32>
      %mul3A_571 = arith.mulf %sub3A_569, %mul3A_570 : vector<16xf32>
      tpu.vector_store_idx %arg16[%mul3A_565], %mul3A_571 : memref<512xf32, #tpu.memory_space<vmem>>[vector<16xi32>], vector<16xf32>,
      %add3A_572 = arith.constant 1 : i32
      %add3A_573 = vector.broadcast %add3A_572 : i32 to vector<16xi32>
      %add3A_574 = arith.addi %mul3A_565, %add3A_573 : vector<16xi32>
      %mul3A_575 = arith.constant 5.000000e-01 : f32
      %mul3A_576 = vector.broadcast %mul3A_575 : f32 to vector<16xf32>
      %mul3A_577 = arith.mulf %mul3A_576, %gather3A_559 : vector<16xf32>
      %sub3A_578 = arith.subf %gather3A_551, %mul3A_577 : vector<16xf32>
      %mul3A_579 = vector.broadcast %reduce_max3A_131 : f32 to vector<16xf32>
      %mul3A_580 = arith.mulf %sub3A_578, %mul3A_579 : vector<16xf32>
      tpu.vector_store_idx %arg16[%add3A_574], %mul3A_580 : memref<512xf32, #tpu.memory_space<vmem>>[vector<16xi32>], vector<16xf32>,
      %add3A_581 = arith.constant 2 : i32
      %add3A_582 = vector.broadcast %add3A_581 : i32 to vector<16xi32>
      %add3A_583 = arith.addi %mul3A_565, %add3A_582 : vector<16xi32>
      %mul3A_584 = arith.constant 5.000000e-01 : f32
      %mul3A_585 = vector.broadcast %mul3A_584 : f32 to vector<16xf32>
      %mul3A_586 = arith.mulf %mul3A_585, %gather3A_555 : vector<16xf32>
      %add3A_587 = arith.addf %gather3A_547, %mul3A_586 : vector<16xf32>
      %mul3A_588 = vector.broadcast %reduce_max3A_144 : f32 to vector<16xf32>
      %mul3A_589 = arith.mulf %add3A_587, %mul3A_588 : vector<16xf32>
      tpu.vector_store_idx %arg16[%add3A_583], %mul3A_589 : memref<512xf32, #tpu.memory_space<vmem>>[vector<16xi32>], vector<16xf32>,
      %add3A_590 = arith.constant 3 : i32
      %add3A_591 = vector.broadcast %add3A_590 : i32 to vector<16xi32>
      %add3A_592 = arith.addi %mul3A_565, %add3A_591 : vector<16xi32>
      %mul3A_593 = arith.constant 5.000000e-01 : f32
      %mul3A_594 = vector.broadcast %mul3A_593 : f32 to vector<16xf32>
      %mul3A_595 = arith.mulf %mul3A_594, %gather3A_559 : vector<16xf32>
      %add3A_596 = arith.addf %gather3A_551, %mul3A_595 : vector<16xf32>
      %mul3A_597 = vector.broadcast %reduce_max3A_131 : f32 to vector<16xf32>
      %mul3A_598 = arith.mulf %add3A_596, %mul3A_597 : vector<16xf32>
      tpu.vector_store_idx %arg16[%add3A_592], %mul3A_598 : memref<512xf32, #tpu.memory_space<vmem>>[vector<16xi32>], vector<16xf32>,
      "tpu.region"() ({
        %run_scoped3A = tpu.sem_alloc : memref<!tpu.dma_semaphore, #tpu.memory_space<semaphore_mem>>
        %dma_start3A = arith.constant 0 : i32
        %dma_start3A_599 = tpu.memref_slice %arg6[%add3A, %dma_start3A] : memref<8x128xf32, #tpu.memory_space<hbm>> -> memref<1x128xf32, #tpu.memory_space<hbm>>
        %dma_start3A_600 = tpu.memref_squeeze %dma_start3A_599 : memref<1x128xf32, #tpu.memory_space<hbm>> -> memref<128xf32, #tpu.memory_space<hbm>>
        %dma_start3A_601 = arith.constant 0 : i32
        %dma_start3A_602 = tpu.memref_slice %arg6[%add3A, %dma_start3A_601] : memref<8x128xf32, #tpu.memory_space<hbm>> -> memref<1x128xf32, #tpu.memory_space<hbm>>
        %dma_start3A_603 = tpu.memref_squeeze %dma_start3A_602 : memref<1x128xf32, #tpu.memory_space<hbm>> -> memref<128xf32, #tpu.memory_space<hbm>>
        tpu.enqueue_dma source(%arg13 : memref<128xf32, #tpu.memory_space<vmem>>) target(%dma_start3A_603 : memref<128xf32, #tpu.memory_space<hbm>>) target_semaphore(%run_scoped3A : memref<!tpu.dma_semaphore, #tpu.memory_space<semaphore_mem>>)
        %dma_wait3A = arith.constant 0 : i32
        %dma_wait3A_604 = tpu.memref_slice %arg6[%add3A, %dma_wait3A] : memref<8x128xf32, #tpu.memory_space<hbm>> -> memref<1x128xf32, #tpu.memory_space<hbm>>
        %dma_wait3A_605 = tpu.memref_squeeze %dma_wait3A_604 : memref<1x128xf32, #tpu.memory_space<hbm>> -> memref<128xf32, #tpu.memory_space<hbm>>
        %dma_wait3A_606 = arith.constant 0 : i32
        %dma_wait3A_607 = tpu.memref_slice %arg6[%add3A, %dma_wait3A_606] : memref<8x128xf32, #tpu.memory_space<hbm>> -> memref<1x128xf32, #tpu.memory_space<hbm>>
        %dma_wait3A_608 = tpu.memref_squeeze %dma_wait3A_607 : memref<1x128xf32, #tpu.memory_space<hbm>> -> memref<128xf32, #tpu.memory_space<hbm>>
        tpu.wait_dma2 semaphore(%run_scoped3A : memref<!tpu.dma_semaphore, #tpu.memory_space<semaphore_mem>>) src(%arg13 : memref<128xf32, #tpu.memory_space<vmem>>) dst(%dma_wait3A_608 : memref<128xf32, #tpu.memory_space<hbm>>)
        tpu.yield
      }) : () -> ()
      "tpu.region"() ({
        %run_scoped3A = tpu.sem_alloc : memref<!tpu.dma_semaphore, #tpu.memory_space<semaphore_mem>>
        %dma_start3A = arith.constant 0 : i32
        %dma_start3A_599 = tpu.memref_slice %arg7[%add3A, %dma_start3A] : memref<8x128xi32, #tpu.memory_space<hbm>> -> memref<1x128xi32, #tpu.memory_space<hbm>>
        %dma_start3A_600 = tpu.memref_squeeze %dma_start3A_599 : memref<1x128xi32, #tpu.memory_space<hbm>> -> memref<128xi32, #tpu.memory_space<hbm>>
        %dma_start3A_601 = arith.constant 0 : i32
        %dma_start3A_602 = tpu.memref_slice %arg7[%add3A, %dma_start3A_601] : memref<8x128xi32, #tpu.memory_space<hbm>> -> memref<1x128xi32, #tpu.memory_space<hbm>>
        %dma_start3A_603 = tpu.memref_squeeze %dma_start3A_602 : memref<1x128xi32, #tpu.memory_space<hbm>> -> memref<128xi32, #tpu.memory_space<hbm>>
        tpu.enqueue_dma source(%arg15 : memref<128xi32, #tpu.memory_space<vmem>>) target(%dma_start3A_603 : memref<128xi32, #tpu.memory_space<hbm>>) target_semaphore(%run_scoped3A : memref<!tpu.dma_semaphore, #tpu.memory_space<semaphore_mem>>)
        %dma_wait3A = arith.constant 0 : i32
        %dma_wait3A_604 = tpu.memref_slice %arg7[%add3A, %dma_wait3A] : memref<8x128xi32, #tpu.memory_space<hbm>> -> memref<1x128xi32, #tpu.memory_space<hbm>>
        %dma_wait3A_605 = tpu.memref_squeeze %dma_wait3A_604 : memref<1x128xi32, #tpu.memory_space<hbm>> -> memref<128xi32, #tpu.memory_space<hbm>>
        %dma_wait3A_606 = arith.constant 0 : i32
        %dma_wait3A_607 = tpu.memref_slice %arg7[%add3A, %dma_wait3A_606] : memref<8x128xi32, #tpu.memory_space<hbm>> -> memref<1x128xi32, #tpu.memory_space<hbm>>
        %dma_wait3A_608 = tpu.memref_squeeze %dma_wait3A_607 : memref<1x128xi32, #tpu.memory_space<hbm>> -> memref<128xi32, #tpu.memory_space<hbm>>
        tpu.wait_dma2 semaphore(%run_scoped3A : memref<!tpu.dma_semaphore, #tpu.memory_space<semaphore_mem>>) src(%arg15 : memref<128xi32, #tpu.memory_space<vmem>>) dst(%dma_wait3A_608 : memref<128xi32, #tpu.memory_space<hbm>>)
        tpu.yield
      }) : () -> ()
      "tpu.region"() ({
        %run_scoped3A = tpu.sem_alloc : memref<!tpu.dma_semaphore, #tpu.memory_space<semaphore_mem>>
        %dma_start3A = arith.constant 0 : i32
        %dma_start3A_599 = tpu.memref_slice %arg8[%add3A, %dma_start3A] : memref<8x512xf32, #tpu.memory_space<hbm>> -> memref<1x512xf32, #tpu.memory_space<hbm>>
        %dma_start3A_600 = tpu.memref_squeeze %dma_start3A_599 : memref<1x512xf32, #tpu.memory_space<hbm>> -> memref<512xf32, #tpu.memory_space<hbm>>
        %dma_start3A_601 = arith.constant 0 : i32
        %dma_start3A_602 = tpu.memref_slice %arg8[%add3A, %dma_start3A_601] : memref<8x512xf32, #tpu.memory_space<hbm>> -> memref<1x512xf32, #tpu.memory_space<hbm>>
        %dma_start3A_603 = tpu.memref_squeeze %dma_start3A_602 : memref<1x512xf32, #tpu.memory_space<hbm>> -> memref<512xf32, #tpu.memory_space<hbm>>
        tpu.enqueue_dma source(%arg16 : memref<512xf32, #tpu.memory_space<vmem>>) target(%dma_start3A_603 : memref<512xf32, #tpu.memory_space<hbm>>) target_semaphore(%run_scoped3A : memref<!tpu.dma_semaphore, #tpu.memory_space<semaphore_mem>>)
        %dma_wait3A = arith.constant 0 : i32
        %dma_wait3A_604 = tpu.memref_slice %arg8[%add3A, %dma_wait3A] : memref<8x512xf32, #tpu.memory_space<hbm>> -> memref<1x512xf32, #tpu.memory_space<hbm>>
        %dma_wait3A_605 = tpu.memref_squeeze %dma_wait3A_604 : memref<1x512xf32, #tpu.memory_space<hbm>> -> memref<512xf32, #tpu.memory_space<hbm>>
        %dma_wait3A_606 = arith.constant 0 : i32
        %dma_wait3A_607 = tpu.memref_slice %arg8[%add3A, %dma_wait3A_606] : memref<8x512xf32, #tpu.memory_space<hbm>> -> memref<1x512xf32, #tpu.memory_space<hbm>>
        %dma_wait3A_608 = tpu.memref_squeeze %dma_wait3A_607 : memref<1x512xf32, #tpu.memory_space<hbm>> -> memref<512xf32, #tpu.memory_space<hbm>>
        tpu.wait_dma2 semaphore(%run_scoped3A : memref<!tpu.dma_semaphore, #tpu.memory_space<semaphore_mem>>) src(%arg16 : memref<512xf32, #tpu.memory_space<vmem>>) dst(%dma_wait3A_608 : memref<512xf32, #tpu.memory_space<hbm>>)
        tpu.yield
      }) : () -> ()
    } else {
    }
    return
  }
}

module attributes {stable_mosaic.version = 14 : i64} {
  func.func @_score_body(%arg0: i32, %arg1: i32, %arg2: memref<1x10000x91xf32, #tpu.memory_space<vmem>>, %arg3: memref<1x1x10000xf32, #tpu.memory_space<vmem>>, %arg4: memref<1x1x10000xf32, #tpu.memory_space<vmem>>, %arg5: memref<1x1x10000xf32, #tpu.memory_space<vmem>>, %arg6: memref<1x1x10000xi32, #tpu.memory_space<vmem>>) attributes {dimension_semantics = [#tpu.dimension_semantics<arbitrary>, #tpu.dimension_semantics<arbitrary>], iteration_bounds = array<i64: 8, 2>, scalar_prefetch = 0 : i64, scratch_operands = 0 : i64, tpu.core_type = #tpu.core_type<tc>, window_params = [{transform_indices = @transform_0, window_bounds = array<i64: 1, 10000, 91>}, {transform_indices = @transform_1, window_bounds = array<i64: 1, 1, 10000>}, {transform_indices = @transform_2, window_bounds = array<i64: 1, 1, 10000>}, {transform_indices = @transform_3, window_bounds = array<i64: 1, 1, 10000>}, {transform_indices = @transform_4, window_bounds = array<i64: 1, 1, 10000>}]} {
    %get3A = arith.constant 0 : index
    %get3A_0 = arith.constant 0 : index
    %get3A_1 = arith.constant 0 : index
    %get3A_2 = vector.load %arg2[%get3A, %get3A_0, %get3A_1] : memref<1x10000x91xf32, #tpu.memory_space<vmem>>, vector<1x10000x91xf32>
    %get3A_3 = vector.shape_cast %get3A_2 : vector<1x10000x91xf32> to vector<10000x91xf32>
    %get3A_4 = arith.constant 0 : index
    %get3A_5 = arith.constant 0 : index
    %get3A_6 = arith.constant 0 : index
    %get3A_7 = vector.load %arg3[%get3A_4, %get3A_5, %get3A_6] : memref<1x1x10000xf32, #tpu.memory_space<vmem>>, vector<1x1x10000xf32>
    %get3A_8 = vector.shape_cast %get3A_7 : vector<1x1x10000xf32> to vector<1x10000xf32>
    %get3A_9 = arith.constant 0 : index
    %get3A_10 = arith.constant 0 : index
    %get3A_11 = arith.constant 0 : index
    %get3A_12 = vector.load %arg4[%get3A_9, %get3A_10, %get3A_11] : memref<1x1x10000xf32, #tpu.memory_space<vmem>>, vector<1x1x10000xf32>
    %get3A_13 = vector.shape_cast %get3A_12 : vector<1x1x10000xf32> to vector<1x10000xf32>
    %neg3A = arith.constant 0.000000e+00 : f32
    %neg3A_14 = vector.broadcast %neg3A : f32 to vector<1x10000xf32>
    %neg3A_15 = arith.subf %neg3A_14, %get3A_8 : vector<1x10000xf32>
    %exp3A = math.exp %neg3A_15 : vector<1x10000xf32>
    %logistic3A = arith.negf %get3A_13 : vector<1x10000xf32>
    %logistic3A_16 = math.exp %logistic3A : vector<1x10000xf32>
    %logistic3A_17 = arith.constant 1.000000e+00 : f32
    %logistic3A_18 = vector.broadcast %logistic3A_17 : f32 to vector<1x10000xf32>
    %logistic3A_19 = arith.addf %logistic3A_18, %logistic3A_16 : vector<1x10000xf32>
    %logistic3A_20 = arith.divf %logistic3A_18, %logistic3A_19 : vector<1x10000xf32>
    %sub3A = arith.constant 1.000000e+00 : f32
    %sub3A_21 = vector.broadcast %sub3A : f32 to vector<1x10000xf32>
    %sub3A_22 = arith.subf %sub3A_21, %logistic3A_20 : vector<1x10000xf32>
    %jit3A = arith.constant 0.000000e+00 : f32
    %jit3A_23 = arith.constant 1.000000e+00 : f32
    %max3A = vector.broadcast %jit3A : f32 to vector<1x10000xf32>
    %max3A_24 = arith.maximumf %max3A, %sub3A_22 : vector<1x10000xf32>
    %min3A = vector.broadcast %jit3A_23 : f32 to vector<1x10000xf32>
    %min3A_25 = arith.minimumf %min3A, %max3A_24 : vector<1x10000xf32>
    %mul3A = arith.mulf %exp3A, %logistic3A_20 : vector<1x10000xf32>
    %transpose3A = tpu.transpose %get3A_3, [1, 0] : vector<10000x91xf32> -> vector<91x10000xf32>
    %logistic3A_26 = arith.negf %transpose3A : vector<91x10000xf32>
    %logistic3A_27 = math.exp %logistic3A_26 : vector<91x10000xf32>
    %logistic3A_28 = arith.constant 1.000000e+00 : f32
    %logistic3A_29 = vector.broadcast %logistic3A_28 : f32 to vector<91x10000xf32>
    %logistic3A_30 = arith.addf %logistic3A_29, %logistic3A_27 : vector<91x10000xf32>
    %logistic3A_31 = arith.divf %logistic3A_29, %logistic3A_30 : vector<91x10000xf32>
    %iota3A = tpu.iota {dimensions = array<i32: 0>} : vector<91x10000xi32>
    %ge3A = arith.constant 75 : i32
    %ge3A_32 = vector.broadcast %ge3A : i32 to vector<91x10000xi32>
    %ge3A_33 = arith.cmpi sge, %iota3A, %ge3A_32 : vector<91x10000xi32>
    %le3A = arith.constant 79 : i32
    %le3A_34 = vector.broadcast %le3A : i32 to vector<91x10000xi32>
    %le3A_35 = arith.cmpi sle, %iota3A, %le3A_34 : vector<91x10000xi32>
    %and3A = arith.andi %ge3A_33, %le3A_35 : vector<91x10000xi1>
    %mul3A_36 = vector.broadcast %exp3A : vector<1x10000xf32> to vector<91x10000xf32>
    %mul3A_37 = arith.mulf %mul3A_36, %logistic3A_31 : vector<91x10000xf32>
    %mul3A_38 = vector.broadcast %min3A_25 : vector<1x10000xf32> to vector<91x10000xf32>
    %mul3A_39 = arith.mulf %mul3A_37, %mul3A_38 : vector<91x10000xf32>
    %ge3A_40 = arith.constant 90 : i32
    %ge3A_41 = vector.broadcast %ge3A_40 : i32 to vector<91x10000xi32>
    %ge3A_42 = arith.cmpi sge, %iota3A, %ge3A_41 : vector<91x10000xi32>
    %or3A = arith.ori %and3A, %ge3A_42 : vector<91x10000xi1>
    %jit3A_43 = arith.constant -1.000000e+00 : f32
    %broadcast_in_dim3A = vector.broadcast %jit3A_43 : f32 to vector<91x10000xf32>
    %select_n3A = arith.select %or3A, %broadcast_in_dim3A, %mul3A_39 : vector<91x10000xi1>, vector<91x10000xf32>
    %reduce_max3A = arith.constant dense<0xFF800000> : vector<10000xf32>
    %reduce_max3A_44 = vector.multi_reduction <maximumf>, %select_n3A, %reduce_max3A [0] : vector<91x10000xf32> to vector<10000xf32>
    %broadcast_in_dim3A_45 = vector.shape_cast %reduce_max3A_44 : vector<10000xf32> to vector<1x10000xf32>
    %eq3A = vector.broadcast %broadcast_in_dim3A_45 : vector<1x10000xf32> to vector<91x10000xf32>
    %eq3A_46 = arith.cmpf oeq, %select_n3A, %eq3A : vector<91x10000xf32>
    %jit3A_47 = arith.constant 91 : i32
    %broadcast_in_dim3A_48 = vector.broadcast %jit3A_47 : i32 to vector<91x10000xi32>
    %select_n3A_49 = arith.select %eq3A_46, %iota3A, %broadcast_in_dim3A_48 : vector<91x10000xi1>, vector<91x10000xi32>
    %reduce_min3A = arith.constant dense<2147483647> : vector<10000xi32>
    %reduce_min3A_50 = vector.multi_reduction <minsi>, %select_n3A_49, %reduce_min3A [0] : vector<91x10000xi32> to vector<10000xi32>
    %broadcast_in_dim3A_51 = vector.shape_cast %reduce_min3A_50 : vector<10000xi32> to vector<1x10000xi32>
    %max3A_52 = arith.constant 0.000000e+00 : f32
    %max3A_53 = vector.broadcast %max3A_52 : f32 to vector<1x10000xf32>
    %max3A_54 = arith.maximumf %broadcast_in_dim3A_45, %max3A_53 : vector<1x10000xf32>
    %mul3A_55 = arith.constant 0.949999988 : f32
    %mul3A_56 = vector.broadcast %mul3A_55 : f32 to vector<1x10000xf32>
    %mul3A_57 = arith.mulf %mul3A_56, %max3A_54 : vector<1x10000xf32>
    %ge3A_58 = arith.cmpf oge, %mul3A, %mul3A_57 : vector<1x10000xf32>
    %select_n3A_59 = arith.select %ge3A_58, %mul3A, %max3A_54 : vector<1x10000xi1>, vector<1x10000xf32>
    %swap3A = arith.constant 0 : index
    %swap3A_60 = arith.constant 0 : index
    %swap3A_61 = arith.constant 0 : index
    %swap3A_62 = vector.load %arg5[%swap3A, %swap3A_60, %swap3A_61] : memref<1x1x10000xf32, #tpu.memory_space<vmem>>, vector<1x1x10000xf32>
    %swap3A_63 = vector.shape_cast %swap3A_62 : vector<1x1x10000xf32> to vector<1x10000xf32>
    %swap3A_64 = vector.shape_cast %select_n3A_59 : vector<1x10000xf32> to vector<1x1x10000xf32>
    tpu.vector_store %arg5[%swap3A, %swap3A_60, %swap3A_61], %swap3A_64 {strides = array<i32>} : memref<1x1x10000xf32, #tpu.memory_space<vmem>>, vector<1x1x10000xf32>,
    %jit3A_65 = arith.constant 90 : i32
    %broadcast_in_dim3A_66 = vector.broadcast %jit3A_65 : i32 to vector<1x10000xi32>
    %select_n3A_67 = arith.select %ge3A_58, %broadcast_in_dim3A_66, %broadcast_in_dim3A_51 : vector<1x10000xi1>, vector<1x10000xi32>
    %swap3A_68 = arith.constant 0 : index
    %swap3A_69 = arith.constant 0 : index
    %swap3A_70 = arith.constant 0 : index
    %swap3A_71 = vector.load %arg6[%swap3A_68, %swap3A_69, %swap3A_70] : memref<1x1x10000xi32, #tpu.memory_space<vmem>>, vector<1x1x10000xi32>
    %swap3A_72 = vector.shape_cast %swap3A_71 : vector<1x1x10000xi32> to vector<1x10000xi32>
    %swap3A_73 = vector.shape_cast %select_n3A_67 : vector<1x10000xi32> to vector<1x1x10000xi32>
    tpu.vector_store %arg6[%swap3A_68, %swap3A_69, %swap3A_70], %swap3A_73 {strides = array<i32>} : memref<1x1x10000xi32, #tpu.memory_space<vmem>>, vector<1x1x10000xi32>,
    return
  }
  func.func @transform_0(%arg0: i32, %arg1: i32) -> (i32, i32, i32) {
    %c0_i32 = arith.constant 0 : i32
    %c0_i32_0 = arith.constant 0 : i32
    return %arg0, %arg1, %c0_i32 : i32, i32, i32
  }
  func.func @transform_1(%arg0: i32, %arg1: i32) -> (i32, i32, i32) {
    %mul3A = arith.constant 2 : i32
    %mul3A_0 = arith.muli %arg0, %mul3A : i32
    %add3A = arith.addi %mul3A_0, %arg1 : i32
    %c0_i32 = arith.constant 0 : i32
    %c0_i32_1 = arith.constant 0 : i32
    %c0_i32_2 = arith.constant 0 : i32
    return %add3A, %c0_i32, %c0_i32_1 : i32, i32, i32
  }
  func.func @transform_2(%arg0: i32, %arg1: i32) -> (i32, i32, i32) {
    %mul3A = arith.constant 2 : i32
    %mul3A_0 = arith.muli %arg0, %mul3A : i32
    %add3A = arith.addi %mul3A_0, %arg1 : i32
    %c0_i32 = arith.constant 0 : i32
    %c0_i32_1 = arith.constant 0 : i32
    %c0_i32_2 = arith.constant 0 : i32
    return %add3A, %c0_i32, %c0_i32_1 : i32, i32, i32
  }
  func.func @transform_3(%arg0: i32, %arg1: i32) -> (i32, i32, i32) {
    %mul3A = arith.constant 2 : i32
    %mul3A_0 = arith.muli %arg0, %mul3A : i32
    %add3A = arith.addi %mul3A_0, %arg1 : i32
    %c0_i32 = arith.constant 0 : i32
    %c0_i32_1 = arith.constant 0 : i32
    %c0_i32_2 = arith.constant 0 : i32
    return %add3A, %c0_i32, %c0_i32_1 : i32, i32, i32
  }
  func.func @transform_4(%arg0: i32, %arg1: i32) -> (i32, i32, i32) {
    %mul3A = arith.constant 2 : i32
    %mul3A_0 = arith.muli %arg0, %mul3A : i32
    %add3A = arith.addi %mul3A_0, %arg1 : i32
    %c0_i32 = arith.constant 0 : i32
    %c0_i32_1 = arith.constant 0 : i32
    %c0_i32_2 = arith.constant 0 : i32
    return %add3A, %c0_i32, %c0_i32_1 : i32, i32, i32
  }
}

</mosaic_0001>

<sc_bundles>
// kernel: kernel.4.cloned.1.call-start
scs
__scs_entry_jumppad:
0x0: {  	(pc) =	sbr.rel $0x88, $3  }
0x1: {  	(tag) =	ssettag $0x0;
	lr =	simm.s32 $0x1  }
0x2: {  	[smem:$0x3F9C] =	sst lr;
	_ =	strace $0xD0000000  }
0x3: {  	_ = 	snop  }
0x4: {  	_ = 	snop  }
0x5: {  	_ = 	snop  }
0x6: {  	_ = 	snop  }
0x7: {  	_ = 	snop  }
__scs_overlays_trampoline_lowered:
0x8: {  	[smem:$0x3FAB] =	sst s0  }
0x9: {  	[smem:$0x3FAC] =	sst s1  }
0xa: {  	[smem:$0x3FAD] =	sst s2  }
0xb: {  	[smem:$0x3FAE] =	sst s3  }
0xc: {  	[smem:$0x3FAF] =	sst s4  }
0xd: {  	[smem:$0x3FB0] =	sst s5  }
0xe: {  	[smem:$0x3FB1] =	sst s6  }
0xf: {  	[smem:$0x3FB2] =	sst s7  }
0x10: {  	[smem:$0x3FB3] =	sst s8  }
0x11: {  	[smem:$0x3FB4] =	sst s9;
	s0 =	simm.s32 @!p0 $0x0  }
0x12: {  	s1 =	sld [smem:$0x3F9A];
	s0 =	simm.s32 @p0 $0x1  }
0x13: {  	[smem:$0x3FB5] =	sst s0;
	s0 =	simm.s32 @!p1 $0x0  }
0x14: {  	s2 =	sld [smem:$0x3F99];
	s0 =	simm.s32 @p1 $0x1  }
0x15: {  	[smem:$0x3FB6] =	sst s0;
	s0 =	simm.s32 @!p2 $0x0  }
0x16: {  	s3 =	sld [smem:$0x3FDB];
	s0 =	simm.s32 @p2 $0x1  }
0x17: {  	s4 =	simm.s32 $0x1BF5;
	[smem:$0x3FB8] =	sst s0  }
0x18: {  	s0 =	sld [smem:$0x3F9B];
	_ =	swait.ge [sflag:s4], $0x0  }
0x19: {  	s7 =	sld [smem:$0x3F9C]  }
0x1a: {  	s8 =	sadd.s32 $0xFFFFE003, lr  }
0x1b: {  	s9 =	sadd.s32 $0xFFFFFEF7, lr;
	s5 =	simm.s32 $0xFFFFFFFF;
	p2 =	slt.u32 s8, $0xFFFFF086  }
0x1c: {  	p1 =	slt.u32 s9, $0xF7A;
	s5 =	simm.s32 @!p2 $0x0  }
0x1d: {  	s5 =	simm.s32 @p1 $0x1;
	p0 =	seq.s32 s7, s2  }
0x1e: {  	s7 =	smul.u32 @!p0 $0xF7A, s2;
	p2 =	seq.s32 @!p0 s5, $0x0  }
0x1f: {  	s9 =	smul.u32 $0xF7A, s1;
	s8 =	simm.s32 @!p0 $0x1BF5;
	p2 =	por !p2, p0  }
0x20: {  	[sflag:s8] =	ssyncset.s32 @!p0 $0xFFFFF086;
	s6 =	sadd.s32 @!p0 s3, s7;
	s7 =	simm.s32 @!p0 $0x108  }
0x21: {  	s3 =	sadd.s32 s3, s9;
	s6 =	sadd.s32 @!p0 $0x88, s6;
	s7 =	simm.s32 @p2 $0x1082  }
0x22: {  	[simem:s7], [sflag:s8] =	dma.local @!p0 [hbm:s6], $0xF7A  }
0x23: {  	s9 =	sor.u32 $0xD0000000, s2;
	s6 =	simm.s32 $0x108;
	_ =	swait.ge @!p0 [sflag:s8], $0x0  }
0x24: {  	s3 =	sadd.s32 $0x88, s3;
	s6 =	simm.s32 @!p1 $0x1082;
	[sflag:s4] =	ssyncset.s32 $0xFFFFF086  }
0x25: {  	[simem:s6], [sflag:s4] =	dma.local [hbm:s3], $0xF7A  }
0x26: {  	[smem:$0x3F9C] =	sst s1;
	(tag) =	ssettag s2;
	_ =	strace s9  }
0x27: {  	s1 =	sld [smem:$0x3FAC]  }
0x28: {  	s2 =	sld [smem:$0x3FAD]  }
0x29: {  	s4 =	sld [smem:$0x3FAF]  }
0x2a: {  	p0 =	seq.s32 s5, $0x0;
	s5 =	sld [smem:$0x3FB0]  }
0x2b: {  	s6 =	sld [smem:$0x3FB1]  }
0x2c: {  	s7 =	sld [smem:$0x3FB2]  }
0x2d: {  	s3 =	simm.s32 $0x108;
	s8 =	sld [smem:$0x3FB3]  }
0x2e: {  	s3 =	simm.s32 @!p0 $0x1082;
	s9 =	sld [smem:$0x3FB4]  }
0x2f: {  	lr =	sadd.s32 s0, s3;
	s0 =	sld [smem:$0x3FAB]  }
0x30: {  	s3 =	sld [smem:$0x3FAE]  }
0x31: {  	[smem:$0x3FB7] =	sst s10  }
0x32: {  	s10 =	sld [smem:$0x3FB5];
	_ =	sdelay $0x3  }
0x33: {  	p0 =	seq.s32 s10, $0x1;
	s10 =	sld [smem:$0x3FB7];
	_ =	sdelay $0x3  }
0x34: {  	[smem:$0x3FB7] =	sst s10  }
0x35: {  	s10 =	sld [smem:$0x3FB6];
	_ =	sdelay $0x3  }
0x36: {  	p1 =	seq.s32 s10, $0x1;
	s10 =	sld [smem:$0x3FB7];
	_ =	sdelay $0x3  }
0x37: {  	[smem:$0x3FB7] =	sst s10  }
0x38: {  	s10 =	sld [smem:$0x3FB8]  }
0x39: {  	_ = 	snop;
	(pc) =	sbr.ind lr, $3  }
0x3a: {  	_ = 	snop  }
0x3b: {  	_ = 	snop  }
0x3c: {  	p2 =	seq.s32 s10, $0x1;
	s10 =	sld [smem:$0x3FB7]  }
0x3d: {  	_ =	shalt  }
0x3e: {  	_ =	shalt  }
0x3f: {  	_ =	shalt  }
0x40: {  	_ =	shalt  }
0x41: {  	_ =	shalt  }
0x42: {  	_ =	shalt  }
0x43: {  	_ =	shalt  }
0x44: {  	_ =	shalt  }
0x45: {  	_ =	shalt  }
0x46: {  	_ =	shalt  }
0x47: {  	_ =	shalt  }
0x48: {  	_ =	shalt  }
0x49: {  	_ =	shalt  }
0x4a: {  	_ =	shalt  }
0x4b: {  	_ =	shalt  }
0x4c: {  	_ =	shalt  }
0x4d: {  	_ =	shalt  }
0x4e: {  	_ =	shalt  }
0x4f: {  	_ =	shalt  }
0x50: {  	_ =	shalt  }
0x51: {  	_ =	shalt  }
0x52: {  	_ =	shalt  }
0x53: {  	_ =	shalt  }
0x54: {  	_ =	shalt  }
0x55: {  	_ =	shalt  }
0x56: {  	_ =	shalt  }
0x57: {  	_ =	shalt  }
0x58: {  	_ =	shalt  }
0x59: {  	_ =	shalt  }
0x5a: {  	_ =	shalt  }
0x5b: {  	_ =	shalt  }
0x5c: {  	_ =	shalt  }
0x5d: {  	_ =	shalt  }
0x5e: {  	_ =	shalt  }
0x5f: {  	_ =	shalt  }
0x60: {  	_ =	shalt  }
0x61: {  	_ =	shalt  }
0x62: {  	_ =	shalt  }
0x63: {  	_ =	shalt  }
0x64: {  	_ =	shalt  }
0x65: {  	_ =	shalt  }
0x66: {  	_ =	shalt  }
0x67: {  	_ =	shalt  }
0x68: {  	_ =	shalt  }
0x69: {  	_ =	shalt  }
0x6a: {  	_ =	shalt  }
0x6b: {  	_ =	shalt  }
0x6c: {  	_ =	shalt  }
0x6d: {  	_ =	shalt  }
0x6e: {  	_ =	shalt  }
0x6f: {  	_ =	shalt  }
0x70: {  	_ =	shalt  }
0x71: {  	_ =	shalt  }
0x72: {  	_ =	shalt  }
0x73: {  	_ =	shalt  }
0x74: {  	_ =	shalt  }
0x75: {  	_ =	shalt  }
0x76: {  	_ =	shalt  }
0x77: {  	_ =	shalt  }
0x78: {  	_ =	shalt  }
0x79: {  	_ =	shalt  }
0x7a: {  	_ =	shalt  }
0x7b: {  	_ =	shalt  }
0x7c: {  	_ =	shalt  }
0x7d: {  	_ =	shalt  }
0x7e: {  	_ =	shalt  }
0x7f: {  	_ =	shalt  }
0x80: {  	_ =	shalt  }
0x81: {  	_ =	shalt  }
0x82: {  	_ =	shalt  }
0x83: {  	_ =	shalt  }
0x84: {  	_ =	shalt  }
0x85: {  	_ =	shalt  }
0x86: {  	_ =	shalt  }
0x87: {  	_ =	shalt  }
.Lfunc_end0:
.L_simem_size_0:
called_computation_lowered:
.L_overlay_start_0:
0x88: {  	s2 =	sld [smem:$0x3FD9]  }
0x89: {  	s3 =	sld [smem:$0x3FFE];
	_ =	sdelay $0x1  }
0x8a: {  	s1 =	srdreg.scid  }
0x8b: {  	s0 =	sand.u32 $0x1, s1  }
0x8c: {  	s14 =	sshll.u32 s0, $0xA;
	s2 =	sadd.s32 s3, s2  }
0x8d: {  	s2 =	sadd.s32 s2, s14  }
0x8e: {  	[smem:$0x3FC3] =	sst s2  }
0x8f: {  	_ = 	snop  }
0x90: {  	s2 =	sld [smem:$0x3FD0];
	_ =	sdelay $0x2  }
0x91: {  	s15 =	simm.s32 $0xA;
	s4 =	simm.s32 $0x10  }
0x92: {  	[smem:s4], [sflag:s15] =	dma.local [hbm:s2], $0x1  }
0x93: {  	_ =	swait.eq [sflag:s15], $0x1  }
0x94: {  	s16 =	sld [smem:$0x10];
	[sflag:s15] =	ssyncset.done $0x0  }
0x95: {  	s17 =	sld [smem:$0x11];
	[sflag:s15] =	ssyncadd.s32 $0xFFFFFFFF  }
0x96: {  	s18 =	sld [smem:$0x12];
	(tm) =	ssettm $0x1  }
0x97: {  	s5 =	sld [smem:$0x3FFB];
	_ =	sdelay $0x3  }
0x98: {  	_ =	strace s5  }
0x99: {  	s5 =	sld [smem:$0x3FFC];
	_ =	sdelay $0x3  }
0x9a: {  	_ =	strace s5  }
0x9b: {  	s5 =	sld [smem:$0x3FFD];
	_ =	sdelay $0x3  }
0x9c: {  	_ =	strace s5  }
0x9d: {  	_ =	strace $0x8FFFFFFF  }
0x9e: {  	s19 =	sld [smem:$0x3FDB];
	_ =	sdelay $0x1  }
0x9f: {  	s6 =	simm.s32 $_scs_section_size  }
0xa0: {  	s7 =	simm.s32 $_size__tile_overlayer_lowered;
	s8 =	simm.s32 $_tile_overlayer_lowered  }
0xa1: {  	s22 =	simm.s32 $0x1BFF;
	s21 =	sshll.u32 s8, $0x1;
	s5 =	sadd.s32 s6, s19  }
0xa2: {  	s9 =	simm.s32 $0x0;
	s20 =	sshll.u32 s7, $0x1;
	s7 =	sadd.s32 s21, s5  }
0xa3: {  	[timem:s9], [sflag:s22] =	dma.local [hbm:s7], s20  }
0xa4: {  	_ =	swait.ge [sflag:s22], s20  }
0xa5: {  	s6 =	ssub.s32 $0x0, s20;
	[sflag:s22] =	ssyncset.done $0x0  }
0xa6: {  	[sflag:s22] =	ssyncadd.s32 s6;
	_ =	sdelay $0x1  }
0xa7: {  	s23 =	simm.s32 $0x1B8B  }
0xa8: {  	_ =	swait.ge [sflag:s23], $0x1  }
0xa9: {  	[sflag:s23] =	ssyncset.done $0x0  }
0xaa: {  	s25 =	simm.s32 $0x1B8E;
	s24 =	sld [smem:$0x3FFE];
	[sflag:s23] =	ssyncadd.s32 $0xFFFFFFFF  }
0xab: {  	s26 =	simm.s32 $execute0_lowered;
	[smem:$0x3FD2] =	sst s25  }
0xac: {  	s7 =	sshll.u32 s26, $0x1;
	_ =	strace $0x80000046;
	[dreg:$0x1] =	wrdreg $0xFFFFFFFF  }
0xad: {  	s28 =	simm.s32 $_size_execute0_lowered;
	s5 =	sadd.s32 s5, s7;
	[dreg:$0x0] =	wrdreg $0x0  }
0xae: {  	s7 =	sshll.u32 s28, $0x1;
	[dreg:$0x2] =	wrdreg s5  }
0xaf: {  	[dreg:$0x3] =	wrdreg s7  }
0xb0: {  	[dreg:$0x4] =	wrdreg $0xC0  }
0xb1: {  	_ =	task [dreg:s9], $0x5FFFF  }
0xb2: {  	[dreg:$0x1] =	wrdreg $0xFFFFFFFF  }
0xb3: {  	[dreg:$0x0] =	wrdreg $0x60  }
0xb4: {  	[dreg:$0x2] =	wrdreg s24  }
0xb5: {  	[dreg:$0x3] =	wrdreg s16  }
0xb6: {  	[dreg:$0x4] =	wrdreg s17  }
0xb7: {  	[dreg:$0x5] =	wrdreg s18  }
0xb8: {  	[dreg:$0x6] =	wrdreg $0x9  }
0xb9: {  	_ =	task.clear_ibuf [dreg:s9], $0x7FFFF;
	_ =	strace $0x90000046  }
0xba: {  	s29 =	simm.s32 $0x9;
	_ =	strace $0x80000048  }
0xbb: {  	_ =	swait.ge [sflag:s29], $0x1  }
0xbc: {  	[sflag:s29] =	ssyncadd.s32 $0xFFFFFFFF  }
0xbd: {  	_ =	strace $0x90000048  }
0xbe: {  	_ =	sfence  }
0xbf: {  	s30 =	sld [smem:$0x0];
	_ =	sdelay $0x2  }
0xc0: {  	s31 =	sshll.u32 s1, $0xD;
	s1 =	sshrl.u32 s1, $0x2  }
0xc1: {  	s3 =	sand.u32 $0x4000, s31;
	s1 =	sadd.s32 s1, s30  }
0xc2: {  	s0 =	sor.u32 s3, s0;
	s1 =	sshll.u32 s1, $0x11  }
0xc3: {  	s0 =	sor.u32 s1, s0  }
0xc4: {  	s0 =	sadd.s32 $0x8F2B, s0  }
0xc5: {  	[sflag:s0] =	ssyncadd.remote.s32 $0x1  }
0xc6: {  	_ =	sfence.sel $0xFFFF  }
0xc7: {  	[dreg:$0x0] =	wrdreg $0xFFFFFFFF;
	(pc) =	sbr.abs _section_cstart, $3  }
0xc8: {  	[dreg:$0x1] =	wrdreg $0xFFFFFFFF  }
0xc9: {  	_ =	task.clear_ibuf [dreg:s9], $0x2FFFF;
	_ =	strace $0x9FFFFFFF  }
0xca: {  	(tm) =	ssettm $0x7FFFFFFF  }
0xcb: {  	_ =	shalt  }
tec
execute0_lowered:
.L_overlay_start_1:
0x0: {  	(tag) =	ssettag $0x1  }
0x1: {  	s1 =	stileid.u32  }
0x2: {  	s3 =	rddreg [dreg:$0x0];
	p0 =	sgt.u32 s1, $0x3  }
.Ltmp0:
0x3: {  	s6 =	rddreg [dreg:$0x1];
	(pc) =	sbr.rel @p0 .LBB2_9-.Ltmp0, $4  }
0x4: {  	s7 =	rddreg [dreg:$0x2]  }
0x5: {  	s8 =	rddreg [dreg:$0x3];
	s2 =	simm.s32 $0x0  }
0x6: {  	[smem:$0x7FF] =	sst s2  }
0x7: {  	s0 =	rddreg [dreg:$0x4];
	_ =	strace $0x80000047  }
0x8: {  	v0 =	vlaneseq.u32;
	vm0 =	vmmov $0x1;
	vm1 =	vcmask $0x314  }
0x9: {  	vm2 =	vcmask $0x714;
	vm3 =	vcmask $0xB14;
	vm4 =	vcmask $0xF14  }
0xa: {  	v20 =	vimm.s32 $0x0;
	v2 =	vand.u32 $0x7, v0;
	v1 =	vmul.u32 $0x10, v0  }
0xb: {  	v19 =	vmul.u32 $0x4, v0;
	v3 =	vmul.u32 $0x10, v2;
	v2 =	vimm.f32 $-1.000000000e+00  }
0xc: {  	v4 =	vor.u32 $0x1, v1;
	v5 =	vor.u32 $0x2, v1;
	v6 =	vor.u32 $0x3, v1  }
0xd: {  	v7 =	vor.u32 $0x4, v1;
	v8 =	vor.u32 $0x5, v1;
	v9 =	vor.u32 $0x6, v1  }
0xe: {  	v10 =	vor.u32 $0x7, v1;
	v11 =	vor.u32 $0x8, v1;
	v12 =	vor.u32 $0x9, v1  }
0xf: {  	v13 =	vor.u32 $0xA, v1;
	v14 =	vor.u32 $0xB, v1;
	v15 =	vor.u32 $0xC, v1  }
0x10: {  	v16 =	vor.u32 $0xD, v1;
	v17 =	vor.u32 $0xE, v1;
	v18 =	vor.u32 $0xF, v1  }
0x11: {  	s4 =	srdreg.scid;
	s26 =	sshll.u32 s1, $0x1;
	v23 =	vor.u32 $0x3, v19;
	v24 =	vor.u32 $0x40, v19;
	v25 =	vor.u32 $0x41, v19  }
0x12: {  	s11 =	sadd.s32 $0x5800, s3;
	s14 =	simm.s32 $0x1DF80;
	s15 =	simm.s32 $0x4F00;
	v26 =	vor.u32 $0x42, v19;
	v27 =	vor.u32 $0x43, v19;
	v28 =	vor.u32 $0x80, v19  }
0x13: {  	s16 =	simm.s32 $0x5500;
	s17 =	simm.s32 $0x5580;
	s18 =	simm.s32 $0x5680;
	v29 =	vor.u32 $0x81, v19;
	v30 =	vor.u32 $0x82, v19;
	v31 =	vor.u32 $0x83, v19  }
0x14: {  	s19 =	simm.s32 $0x5600;
	s20 =	simm.s32 $0x80;
	s5 =	sand.u32 $0x1, s4;
	v32 =	vor.u32 $0xC0, v19;
	v33 =	vor.u32 $0xC1, v19;
	v34 =	vor.u32 $0xC2, v19  }
0x15: {  	s21 =	simm.s32 $0x400;
	s22 =	simm.s32 $0x0;
	s9 =	sor.u32 s5, s26;
	v35 =	vor.u32 $0xC3, v19;
	v36 =	vor.u32 $0x100, v19;
	v37 =	vor.u32 $0x101, v19  }
0x16: {  	s30 =	ssub.s32 $0x2, s5;
	s4 =	sshll.u32 s9, $0x1;
	s28 =	smul.u32 $0x9C4, s9;
	v38 =	vor.u32 $0x102, v19;
	v39 =	vor.u32 $0x103, v19;
	v40 =	vor.u32 $0x140, v19  }
0x17: {  	s10 =	sshllo.u32 s9, $0x1;
	s29 =	smul.u32 $0x2710, s9;
	s9 =	sshll.u32 s9, $0x4;
	v41 =	vor.u32 $0x141, v19;
	v42 =	vor.u32 $0x142, v19;
	v43 =	vor.u32 $0x143, v19  }
0x18: {  	s31 =	sshrl.u32 s30, $0x1;
	v44 =	vor.u32 $0x180, v19;
	v45 =	vor.u32 $0x181, v19;
	v46 =	vor.u32 $0x182, v19;
	s6 =	sadd.s32 s6, s9;
	s7 =	sadd.s32 s7, s9  }
0x19: {  	v47 =	vor.u32 $0x183, v19;
	v48 =	vor.u32 $0x1C0, v19;
	v49 =	vor.u32 $0x1C1, v19;
	s8 =	sadd.s32 s8, s9;
	s12 =	sadd.s32 s28, s3;
	s13 =	sadd.s32 s29, s3  }
0x1a: {  	v50 =	vor.u32 $0x1C2, v19;
	v51 =	vor.u32 $0x1C3, v19;
	v22 =	vmov s10;
	s3 =	sadd.s32 $0x1E200, s3;
	s9 =	sadd.s32 s11, s28;
	s11 =	simm.s32 $0x1  }
0x1b: {  	v21 =	vmov s4;
	v3 =	vor.u32 $0xFFFFFF80, v3;
	vm5 =	veq.s32 v22, v0;
	s4 =	sadd.s32 $0x800, s12;
	s5 =	sadd.s32 $0xA800, s13;
	s12 =	ssub.s32 s30, s31  }
0x1c: {  	vm6 =	veq.s32 v21, v0;
	v21 =	vor.u32 $0x1, v19;
	v22 =	vor.u32 $0x2, v19;
	s13 =	simm.s32 $0xA700;
	s10 =	smax.u32 s12, $0x1;
	s12 =	simm.s32 $0x5880  }
.LBB2_2:
0x1d: {  	s23 =	simm.s32 $0x0  }
0x1e: {  	[tilespmem:s23], [sflag:$0x1] =	stream.linear.gather [hbm4b:s9+s23], $0x4E20, $0x38;
	[tilespmem:$0x1E000] =	vst v63  }
0x1f: {  	_ =	swait.ge [sflag:s11], $0x4E20  }
0x20: {  	[sflag:s11] =	ssyncset.done $0x0  }
0x21: {  	[sflag:s11] =	ssyncadd.s32 $0xFFFFB1E0  }
0x22: {  	[tilespmem:s12], [sflag:$0x1] =	stream.linear.gather [hbm4b:s4+s23], $0x4E20, $0x38;
	[tilespmem:$0x1E000] =	vst v63  }
0x23: {  	_ =	swait.ge [sflag:s11], $0x4E20  }
0x24: {  	[sflag:s11] =	ssyncset.done $0x0  }
0x25: {  	[sflag:s11] =	ssyncadd.s32 $0xFFFFB1E0  }
0x26: {  	[tilespmem:s13], [sflag:$0x1] =	stream.linear.gather [hbm4b:s5+s23], $0x13880, $0x38;
	[tilespmem:$0x1E000] =	vst v63  }
0x27: {  	_ =	swait.ge [sflag:s11], $0x13880  }
0x28: {  	[sflag:s11] =	ssyncset.done $0x0  }
0x29: {  	[sflag:s11] =	ssyncadd.s32 $0xFFFEC780  }
0x2a: {  	[tilespmem:s14], [sflag:$0x1] =	stream.linear.gather [hbm4b:s3+s23], $0x80, $0x38;
	[tilespmem:$0x1E000] =	vst v63  }
0x2b: {  	_ =	swait.ge [sflag:s11], $0x80  }
0x2c: {  	[sflag:s11] =	ssyncset.done $0x0  }
0x2d: {  	[sflag:s11] =	ssyncadd.s32 $0xFFFFFF80  }
0x2e: {  	[tilespmem:$0x4E20] =	vst v2  }
0x2f: {  	[tilespmem:$0x4E30] =	vst v2  }
0x30: {  	[tilespmem:$0x4E40] =	vst v2  }
0x31: {  	[tilespmem:$0x4E50] =	vst v2  }
0x32: {  	[tilespmem:$0x4E60] =	vst v2  }
0x33: {  	[tilespmem:$0x4E70] =	vst v2  }
0x34: {  	[tilespmem:$0x4E80] =	vst v2  }
0x35: {  	[tilespmem:$0x4E90] =	vst v2  }
0x36: {  	v52 =	vor.u32 s23, v1;
	[tilespmem:$0x4EA0] =	vst v2  }
0x37: {  	v52 =	vand.u32 v3, v52;
	[tilespmem:$0x4EB0] =	vst v2  }
0x38: {  	v53 =	vor.u32 s23, v4;
	[tilespmem:$0x4EC0] =	vst v2  }
0x39: {  	v54 =	vor.u32 s23, v5;
	[tilespmem:$0x4ED0] =	vst v2  }
0x3a: {  	v55 =	vor.u32 s23, v6;
	[tilespmem:$0x4EE0] =	vst v2  }
0x3b: {  	v56 =	vor.u32 s23, v7;
	[tilespmem:$0x4EF0] =	vst v2  }
0x3c: {  	v57 =	vor.u32 s23, v8;
	v52 =	vld.idx.msk [tilespmem:v52+s2+$0x0], $0xffff  }
0x3d: {  	v58 =	vor.u32 s23, v9;
	v53 =	vld.idx.msk [tilespmem:v53+s2+$0x0], $0xffff  }
0x3e: {  	v59 =	vor.u32 s23, v10;
	v54 =	vld.idx.msk [tilespmem:v54+s2+$0x0], $0xffff  }
0x3f: {  	v60 =	vor.u32 s23, v11;
	v55 =	vld.idx.msk [tilespmem:v55+s2+$0x0], $0xffff  }
0x40: {  	v61 =	vor.u32 s23, v12;
	v56 =	vld.idx.msk [tilespmem:v56+s2+$0x0], $0xffff  }
0x41: {  	v62 =	vor.u32 s23, v13;
	v57 =	vld.idx.msk [tilespmem:v57+s2+$0x0], $0xffff;
	v52 =	vmax.f32 v52, $-1.000000000e+00  }
0x42: {  	v63 =	vor.u32 s23, v14;
	v58 =	vld.idx.msk [tilespmem:v58+s2+$0x0], $0xffff;
	v52 =	vmax.f32 v52, v53  }
0x43: {  	v53 =	vld.idx.msk [tilespmem:v59+s2+$0x0], $0xffff;
	v59 =	vor.u32 s23, v15;
	v52 =	vmax.f32 v52, v54  }
0x44: {  	v54 =	vld.idx.msk [tilespmem:v60+s2+$0x0], $0xffff;
	v60 =	vor.u32 s23, v16;
	v52 =	vmax.f32 v52, v55  }
0x45: {  	v55 =	vld.idx.msk [tilespmem:v61+s2+$0x0], $0xffff;
	v61 =	vor.u32 s23, v17;
	v52 =	vmax.f32 v52, v56  }
0x46: {  	v56 =	vld.idx.msk [tilespmem:v62+s2+$0x0], $0xffff;
	v62 =	vor.u32 s23, v18;
	v52 =	vmax.f32 v52, v57  }
0x47: {  	v57 =	vld.idx.msk [tilespmem:v63+s2+$0x0], $0xffff;
	v52 =	vmax.f32 v52, v58  }
0x48: {  	v58 =	vld.idx.msk [tilespmem:v59+s2+$0x0], $0xffff;
	v52 =	vmax.f32 v52, v53  }
0x49: {  	v53 =	vld.idx.msk [tilespmem:v60+s2+$0x0], $0xffff;
	v52 =	vmax.f32 v52, v54  }
0x4a: {  	v63 =	vld.idx.msk [tilespmem:v61+s2+$0x0], $0xffff;
	v52 =	vmax.f32 v52, v55  }
0x4b: {  	s31 =	simm.s32 $0x100;
	v55 =	vld.idx.msk [tilespmem:v62+s2+$0x0], $0xffff;
	v52 =	vmax.f32 v52, v56  }
0x4c: {  	v60 =	vor.u32 s31, v1;
	v52 =	vmax.f32 v52, v57  }
0x4d: {  	v56 =	vand.u32 v3, v60;
	v52 =	vmax.f32 v52, v58  }
0x4e: {  	v61 =	vor.u32 s31, v4;
	v52 =	vmax.f32 v52, v53  }
0x4f: {  	v62 =	vor.u32 s31, v5;
	v52 =	vmax.f32 v52, v63  }
0x50: {  	v63 =	vor.u32 s31, v6;
	v52 =	vmax.f32 v52, v55  }
0x51: {  	v55 =	vor.u32 s31, v7;
	[tilespmem:s15+$0x0] =	vst v52  }
0x52: {  	v52 =	vld.idx.msk [tilespmem:v56+s2+$0x0], $0xffff;
	v56 =	vor.u32 s31, v8  }
0x53: {  	v58 =	vor.u32 s31, v9;
	v57 =	vld.idx.msk [tilespmem:v61+s2+$0x0], $0xffff  }
0x54: {  	v59 =	vor.u32 s31, v10;
	v53 =	vld.idx.msk [tilespmem:v62+s2+$0x0], $0xffff  }
0x55: {  	v60 =	vor.u32 s31, v11;
	v54 =	vld.idx.msk [tilespmem:v63+s2+$0x0], $0xffff  }
0x56: {  	v61 =	vor.u32 s31, v12;
	v55 =	vld.idx.msk [tilespmem:v55+s2+$0x0], $0xffff  }
0x57: {  	v62 =	vor.u32 s31, v13;
	v56 =	vld.idx.msk [tilespmem:v56+s2+$0x0], $0xffff;
	v52 =	vmax.f32 v52, $-1.000000000e+00  }
0x58: {  	v58 =	vld.idx.msk [tilespmem:v58+s2+$0x0], $0xffff;
	v63 =	vor.u32 s31, v14;
	v52 =	vmax.f32 v52, v57  }
0x59: {  	v57 =	vld.idx.msk [tilespmem:v59+s2+$0x0], $0xffff;
	v52 =	vmax.f32 v52, v53;
	v53 =	vor.u32 s31, v15  }
0x5a: {  	v59 =	vld.idx.msk [tilespmem:v60+s2+$0x0], $0xffff;
	v52 =	vmax.f32 v52, v54;
	v54 =	vor.u32 s31, v16  }
0x5b: {  	v60 =	vld.idx.msk [tilespmem:v61+s2+$0x0], $0xffff;
	v52 =	vmax.f32 v52, v55;
	v55 =	vor.u32 s31, v17  }
0x5c: {  	v61 =	vld.idx.msk [tilespmem:v62+s2+$0x0], $0xffff;
	v52 =	vmax.f32 v52, v56;
	v56 =	vor.u32 s31, v18  }
0x5d: {  	v62 =	vld.idx.msk [tilespmem:v63+s2+$0x0], $0xffff;
	v52 =	vmax.f32 v52, v58  }
0x5e: {  	v57 =	vmax.f32 v52, v57;
	v52 =	vld.idx.msk [tilespmem:v53+s2+$0x0], $0xffff  }
0x5f: {  	v57 =	vmax.f32 v57, v59;
	v53 =	vld.idx.msk [tilespmem:v54+s2+$0x0], $0xffff  }
0x60: {  	v57 =	vmax.f32 v57, v60;
	v54 =	vld.idx.msk [tilespmem:v55+s2+$0x0], $0xffff  }
0x61: {  	s23 =	simm.s32 $0x200;
	v57 =	vmax.f32 v57, v61;
	v55 =	vld.idx.msk [tilespmem:v56+s2+$0x0], $0xffff  }
0x62: {  	s25 =	simm.s32 $0x300;
	s24 =	simm.s32 $0x4F00;
	v56 =	vor.u32 s23, v1;
	v57 =	vmax.f32 v57, v62  }
.LBB2_3:
0x63: {  	p0 =	sne.s32 s25, $0x4E00;
	v56 =	vand.u32 v3, v56;
	v52 =	vmax.f32 v57, v52  }
0x64: {  	v57 =	vor.u32 s23, v4;
	v52 =	vmax.f32 v52, v53  }
0x65: {  	v53 =	vor.u32 s23, v5;
	v52 =	vmax.f32 v52, v54  }
0x66: {  	s24 =	sadd.s32 $0x10, s24;
	v54 =	vor.u32 s23, v6;
	v52 =	vmax.f32 v52, v55  }
0x67: {  	v55 =	vor.u32 s23, v7;
	[tilespmem:s24+$0x0] =	vst v52  }
0x68: {  	v52 =	vld.idx.msk [tilespmem:v56+s2+$0x0], $0xffff;
	v56 =	vor.u32 s23, v8  }
0x69: {  	v58 =	vor.u32 s23, v9;
	v57 =	vld.idx.msk [tilespmem:v57+s2+$0x0], $0xffff  }
0x6a: {  	v59 =	vor.u32 s23, v10;
	v53 =	vld.idx.msk [tilespmem:v53+s2+$0x0], $0xffff  }
0x6b: {  	v60 =	vor.u32 s23, v11;
	v54 =	vld.idx.msk [tilespmem:v54+s2+$0x0], $0xffff  }
0x6c: {  	v61 =	vor.u32 s23, v12;
	v55 =	vld.idx.msk [tilespmem:v55+s2+$0x0], $0xffff  }
0x6d: {  	v62 =	vor.u32 s23, v13;
	v56 =	vld.idx.msk [tilespmem:v56+s2+$0x0], $0xffff  }
0x6e: {  	v63 =	vor.u32 s23, v14;
	v52 =	vmax.f32 v52, $-1.000000000e+00;
	v58 =	vld.idx.msk [tilespmem:v58+s2+$0x0], $0xffff  }
0x6f: {  	v52 =	vmax.f32 v52, v57;
	v57 =	vld.idx.msk [tilespmem:v59+s2+$0x0], $0xffff;
	v59 =	vor.u32 s23, v15  }
0x70: {  	v52 =	vmax.f32 v52, v53;
	v53 =	vor.u32 s23, v16;
	v60 =	vld.idx.msk [tilespmem:v60+s2+$0x0], $0xffff  }
0x71: {  	v52 =	vmax.f32 v52, v54;
	v54 =	vor.u32 s23, v17;
	v61 =	vld.idx.msk [tilespmem:v61+s2+$0x0], $0xffff  }
0x72: {  	v52 =	vmax.f32 v52, v55;
	v55 =	vor.u32 s23, v18;
	s23 =	smov.u32 s25;
	v62 =	vld.idx.msk [tilespmem:v62+s2+$0x0], $0xffff  }
0x73: {  	v52 =	vmax.f32 v52, v56;
	v63 =	vld.idx.msk [tilespmem:v63+s2+$0x0], $0xffff  }
0x74: {  	v56 =	vmax.f32 v52, v58;
	v52 =	vld.idx.msk [tilespmem:v59+s2+$0x0], $0xffff  }
.Ltmp1:
0x75: {  	v56 =	vmax.f32 v56, v57;
	v53 =	vld.idx.msk [tilespmem:v53+s2+$0x0], $0xffff;
	(pc) =	sbr.rel @p0 .LBB2_3-.Ltmp1, $4  }
0x76: {  	v56 =	vmax.f32 v56, v60;
	v54 =	vld.idx.msk [tilespmem:v54+s2+$0x0], $0xffff  }
0x77: {  	v56 =	vmax.f32 v56, v61;
	v55 =	vld.idx.msk [tilespmem:v55+s2+$0x0], $0xffff  }
0x78: {  	v57 =	vmax.f32 v56, v62  }
0x79: {  	s25 =	sadd.s32 $0x100, s25;
	v56 =	vor.u32 s23, v1;
	v57 =	vmax.f32 v57, v63  }
0x7a: {  	v56 =	vand.u32 v3, v56;
	v52 =	vmax.f32 v57, v52  }
0x7b: {  	v61 =	vor.u32 s23, v4;
	v52 =	vmax.f32 v52, v53  }
0x7c: {  	v62 =	vor.u32 s23, v5;
	v52 =	vmax.f32 v52, v54  }
0x7d: {  	v63 =	vor.u32 s23, v6;
	s24 =	sadd.s32 $0x10, s24;
	v52 =	vmax.f32 v52, v55  }
0x7e: {  	v55 =	vor.u32 s23, v7;
	[tilespmem:s24+$0x0] =	vst v52  }
0x7f: {  	v52 =	vld.idx.msk [tilespmem:v56+s2+$0x0], $0xffff;
	v56 =	vor.u32 s23, v8  }
0x80: {  	v58 =	vor.u32 s23, v9;
	v57 =	vld.idx.msk [tilespmem:v61+s2+$0x0], $0xffff  }
0x81: {  	v59 =	vor.u32 s23, v10;
	v53 =	vld.idx.msk [tilespmem:v62+s2+$0x0], $0xffff  }
0x82: {  	v60 =	vor.u32 s23, v11;
	v54 =	vld.idx.msk [tilespmem:v63+s2+$0x0], $0xffff  }
0x83: {  	v61 =	vor.u32 s23, v12;
	v55 =	vld.idx.msk [tilespmem:v55+s2+$0x0], $0xffff  }
0x84: {  	v62 =	vor.u32 s23, v13;
	v56 =	vld.idx.msk [tilespmem:v56+s2+$0x0], $0xffff;
	v52 =	vmax.f32 v52, $-1.000000000e+00  }
0x85: {  	v58 =	vld.idx.msk [tilespmem:v58+s2+$0x0], $0xffff;
	v63 =	vor.u32 s23, v14;
	v52 =	vmax.f32 v52, v57  }
0x86: {  	v57 =	vld.idx.msk [tilespmem:v59+s2+$0x0], $0xffff;
	v59 =	vor.u32 s23, v15;
	v52 =	vmax.f32 v52, v53  }
0x87: {  	v53 =	vld.idx.msk [tilespmem:v60+s2+$0x0], $0xffff;
	v60 =	vor.u32 s23, v16;
	v52 =	vmax.f32 v52, v54  }
0x88: {  	v54 =	vld.idx.msk [tilespmem:v61+s2+$0x0], $0xffff;
	v61 =	vor.u32 s23, v17;
	v52 =	vmax.f32 v52, v55  }
0x89: {  	v55 =	vld.idx.msk [tilespmem:v62+s2+$0x0], $0xffff;
	v62 =	vor.u32 s23, v18;
	v52 =	vmax.f32 v52, v56  }
0x8a: {  	v56 =	vld.idx.msk [tilespmem:v63+s2+$0x0], $0xffff;
	v52 =	vmax.f32 v52, v58  }
0x8b: {  	v58 =	vld.idx.msk [tilespmem:v59+s2+$0x0], $0xffff;
	v52 =	vmax.f32 v52, v57  }
0x8c: {  	v60 =	vld.idx.msk [tilespmem:v60+s2+$0x0], $0xffff;
	v52 =	vmax.f32 v52, v53  }
0x8d: {  	v61 =	vld.idx.msk [tilespmem:v61+s2+$0x0], $0xffff;
	v52 =	vmax.f32 v52, v54  }
0x8e: {  	v63 =	vld.idx.msk [tilespmem:v62+s2+$0x0], $0xffff;
	v52 =	vmax.f32 v52, v55  }
0x8f: {  	s30 =	simm.s32 $0x0;
	v52 =	vmax.f32 v52, v56  }
0x90: {  	v59 =	vor.u32 s30, v1;
	v52 =	vmax.f32 v52, v58  }
0x91: {  	v55 =	vand.u32 v3, v59;
	v52 =	vmax.f32 v52, v60  }
0x92: {  	v60 =	vor.u32 s30, v4;
	v52 =	vmax.f32 v52, v61  }
0x93: {  	s24 =	sadd.s32 $0x10, s24;
	v61 =	vor.u32 s30, v5;
	v52 =	vmax.f32 v52, v63  }
0x94: {  	v62 =	vor.u32 s30, v6;
	[tilespmem:s24+$0x0] =	vst v52  }
0x95: {  	v56 =	vor.u32 s30, v7;
	[tilespmem:$0x53F0] =	vst v2  }
0x96: {  	v57 =	vor.u32 s30, v8;
	v55 =	vld.idx.msk [tilespmem:v55+s15+$0x0], $0xffff  }
0x97: {  	v58 =	vor.u32 s30, v9;
	v53 =	vld.idx.msk [tilespmem:v60+s15+$0x0], $0xffff  }
0x98: {  	v59 =	vor.u32 s30, v10;
	v54 =	vld.idx.msk [tilespmem:v61+s15+$0x0], $0xffff  }
0x99: {  	v52 =	vld.idx.msk [tilespmem:v62+s15+$0x0], $0xffff;
	v60 =	vor.u32 s30, v11  }
0x9a: {  	v56 =	vld.idx.msk [tilespmem:v56+s15+$0x0], $0xffff;
	v61 =	vor.u32 s30, v12  }
0x9b: {  	v57 =	vld.idx.msk [tilespmem:v57+s15+$0x0], $0xffff;
	v62 =	vor.u32 s30, v13;
	v55 =	vmax.f32 v55, $-1.000000000e+00  }
0x9c: {  	v63 =	vor.u32 s30, v14;
	v58 =	vld.idx.msk [tilespmem:v58+s15+$0x0], $0xffff;
	v53 =	vmax.f32 v55, v53  }
0x9d: {  	v55 =	vld.idx.msk [tilespmem:v59+s15+$0x0], $0xffff;
	v59 =	vor.u32 s30, v15;
	v53 =	vmax.f32 v53, v54  }
0x9e: {  	v54 =	vld.idx.msk [tilespmem:v60+s15+$0x0], $0xffff;
	v60 =	vor.u32 s30, v16;
	v52 =	vmax.f32 v53, v52  }
0x9f: {  	v53 =	vld.idx.msk [tilespmem:v61+s15+$0x0], $0xffff;
	v61 =	vor.u32 s30, v17;
	v52 =	vmax.f32 v52, v56  }
0xa0: {  	v56 =	vld.idx.msk [tilespmem:v62+s15+$0x0], $0xffff;
	v62 =	vor.u32 s30, v18;
	v52 =	vmax.f32 v52, v57  }
0xa1: {  	v57 =	vld.idx.msk [tilespmem:v63+s15+$0x0], $0xffff;
	v52 =	vmax.f32 v52, v58  }
0xa2: {  	v58 =	vld.idx.msk [tilespmem:v59+s15+$0x0], $0xffff;
	v52 =	vmax.f32 v52, v55  }
0xa3: {  	v55 =	vld.idx.msk [tilespmem:v60+s15+$0x0], $0xffff;
	v52 =	vmax.f32 v52, v54  }
0xa4: {  	v63 =	vld.idx.msk [tilespmem:v61+s15+$0x0], $0xffff;
	v52 =	vmax.f32 v52, v53  }
0xa5: {  	s31 =	simm.s32 $0x100;
	v53 =	vld.idx.msk [tilespmem:v62+s15+$0x0], $0xffff;
	v52 =	vmax.f32 v52, v56  }
0xa6: {  	v60 =	vor.u32 s31, v1;
	v52 =	vmax.f32 v52, v57  }
0xa7: {  	v56 =	vand.u32 v3, v60;
	v52 =	vmax.f32 v52, v58  }
0xa8: {  	v61 =	vor.u32 s31, v4;
	v52 =	vmax.f32 v52, v55  }
0xa9: {  	v62 =	vor.u32 s31, v5;
	v52 =	vmax.f32 v52, v63  }
0xaa: {  	s23 =	simm.s32 $0x5400;
	v63 =	vor.u32 s31, v6;
	v52 =	vmax.f32 v52, v53  }
0xab: {  	v53 =	vor.u32 s31, v7;
	[tilespmem:s23+$0x0] =	vst v52  }
0xac: {  	v52 =	vld.idx.msk [tilespmem:v56+s15+$0x0], $0xffff;
	v56 =	vor.u32 s31, v8  }
0xad: {  	v58 =	vor.u32 s31, v9;
	v57 =	vld.idx.msk [tilespmem:v61+s15+$0x0], $0xffff  }
0xae: {  	v59 =	vor.u32 s31, v10;
	v55 =	vld.idx.msk [tilespmem:v62+s15+$0x0], $0xffff  }
0xaf: {  	v60 =	vor.u32 s31, v11;
	v54 =	vld.idx.msk [tilespmem:v63+s15+$0x0], $0xffff  }
0xb0: {  	v61 =	vor.u32 s31, v12;
	v53 =	vld.idx.msk [tilespmem:v53+s15+$0x0], $0xffff  }
0xb1: {  	v62 =	vor.u32 s31, v13;
	v56 =	vld.idx.msk [tilespmem:v56+s15+$0x0], $0xffff;
	v52 =	vmax.f32 v52, $-1.000000000e+00  }
0xb2: {  	v58 =	vld.idx.msk [tilespmem:v58+s15+$0x0], $0xffff;
	v63 =	vor.u32 s31, v14;
	v52 =	vmax.f32 v52, v57  }
0xb3: {  	v57 =	vld.idx.msk [tilespmem:v59+s15+$0x0], $0xffff;
	v52 =	vmax.f32 v52, v55;
	v55 =	vor.u32 s31, v15  }
0xb4: {  	v59 =	vld.idx.msk [tilespmem:v60+s15+$0x0], $0xffff;
	v52 =	vmax.f32 v52, v54;
	v54 =	vor.u32 s31, v16  }
0xb5: {  	v60 =	vld.idx.msk [tilespmem:v61+s15+$0x0], $0xffff;
	v61 =	vor.u32 s31, v17;
	v52 =	vmax.f32 v52, v53  }
0xb6: {  	v62 =	vld.idx.msk [tilespmem:v62+s15+$0x0], $0xffff;
	v52 =	vmax.f32 v52, v56;
	v56 =	vor.u32 s31, v18  }
0xb7: {  	v63 =	vld.idx.msk [tilespmem:v63+s15+$0x0], $0xffff;
	v52 =	vmax.f32 v52, v58  }
0xb8: {  	v58 =	vmax.f32 v52, v57;
	v52 =	vld.idx.msk [tilespmem:v55+s15+$0x0], $0xffff  }
0xb9: {  	v59 =	vmax.f32 v58, v59;
	v53 =	vld.idx.msk [tilespmem:v54+s15+$0x0], $0xffff  }
0xba: {  	v54 =	vld.idx.msk [tilespmem:v61+s15+$0x0], $0xffff;
	v55 =	vmax.f32 v59, v60  }
0xbb: {  	s24 =	simm.s32 $0x200;
	v62 =	vmax.f32 v55, v62;
	v55 =	vld.idx.msk [tilespmem:v56+s15+$0x0], $0xffff  }
0xbc: {  	s25 =	simm.s32 $0x300;
	v56 =	vor.u32 s24, v1;
	v57 =	vmax.f32 v62, v63  }
.LBB2_5:
0xbd: {  	p0 =	sne.s32 s25, $0x400;
	v56 =	vand.u32 v3, v56;
	v52 =	vmax.f32 v57, v52  }
0xbe: {  	v57 =	vor.u32 s24, v4;
	v52 =	vmax.f32 v52, v53  }
0xbf: {  	v53 =	vor.u32 s24, v5;
	v52 =	vmax.f32 v52, v54  }
0xc0: {  	s23 =	sadd.s32 $0x10, s23;
	v54 =	vor.u32 s24, v6;
	v52 =	vmax.f32 v52, v55  }
0xc1: {  	v55 =	vor.u32 s24, v7;
	[tilespmem:s23+$0x0] =	vst v52  }
0xc2: {  	v52 =	vld.idx.msk [tilespmem:v56+s15+$0x0], $0xffff;
	v56 =	vor.u32 s24, v8  }
0xc3: {  	v58 =	vor.u32 s24, v9;
	v57 =	vld.idx.msk [tilespmem:v57+s15+$0x0], $0xffff  }
0xc4: {  	v59 =	vor.u32 s24, v10;
	v53 =	vld.idx.msk [tilespmem:v53+s15+$0x0], $0xffff  }
0xc5: {  	v60 =	vor.u32 s24, v11;
	v54 =	vld.idx.msk [tilespmem:v54+s15+$0x0], $0xffff  }
0xc6: {  	v61 =	vor.u32 s24, v12;
	v55 =	vld.idx.msk [tilespmem:v55+s15+$0x0], $0xffff  }
0xc7: {  	v62 =	vor.u32 s24, v13;
	v56 =	vld.idx.msk [tilespmem:v56+s15+$0x0], $0xffff  }
0xc8: {  	v63 =	vor.u32 s24, v14;
	v52 =	vmax.f32 v52, $-1.000000000e+00;
	v58 =	vld.idx.msk [tilespmem:v58+s15+$0x0], $0xffff  }
0xc9: {  	v52 =	vmax.f32 v52, v57;
	v57 =	vld.idx.msk [tilespmem:v59+s15+$0x0], $0xffff;
	v59 =	vor.u32 s24, v15  }
0xca: {  	v52 =	vmax.f32 v52, v53;
	v53 =	vor.u32 s24, v16;
	v60 =	vld.idx.msk [tilespmem:v60+s15+$0x0], $0xffff  }
0xcb: {  	v52 =	vmax.f32 v52, v54;
	v54 =	vor.u32 s24, v17;
	v61 =	vld.idx.msk [tilespmem:v61+s15+$0x0], $0xffff  }
0xcc: {  	v52 =	vmax.f32 v52, v55;
	v55 =	vor.u32 s24, v18;
	s24 =	smov.u32 s25;
	v62 =	vld.idx.msk [tilespmem:v62+s15+$0x0], $0xffff  }
0xcd: {  	v52 =	vmax.f32 v52, v56;
	v63 =	vld.idx.msk [tilespmem:v63+s15+$0x0], $0xffff  }
0xce: {  	v56 =	vmax.f32 v52, v58;
	v52 =	vld.idx.msk [tilespmem:v59+s15+$0x0], $0xffff  }
.Ltmp2:
0xcf: {  	v56 =	vmax.f32 v56, v57;
	v53 =	vld.idx.msk [tilespmem:v53+s15+$0x0], $0xffff;
	(pc) =	sbr.rel @p0 .LBB2_5-.Ltmp2, $4  }
0xd0: {  	v56 =	vmax.f32 v56, v60;
	v54 =	vld.idx.msk [tilespmem:v54+s15+$0x0], $0xffff  }
0xd1: {  	v56 =	vmax.f32 v56, v61;
	v55 =	vld.idx.msk [tilespmem:v55+s15+$0x0], $0xffff  }
0xd2: {  	v57 =	vmax.f32 v56, v62  }
0xd3: {  	s25 =	sadd.s32 $0x100, s25;
	v56 =	vor.u32 s24, v1;
	v57 =	vmax.f32 v57, v63  }
0xd4: {  	v56 =	vand.u32 v3, v56;
	v52 =	vmax.f32 v57, v52  }
0xd5: {  	v60 =	vor.u32 s24, v4;
	v52 =	vmax.f32 v52, v53  }
0xd6: {  	v61 =	vor.u32 s24, v5;
	v52 =	vmax.f32 v52, v54  }
0xd7: {  	v62 =	vor.u32 s24, v6;
	s23 =	sadd.s32 $0x10, s23;
	v52 =	vmax.f32 v52, v55  }
0xd8: {  	v55 =	vor.u32 s24, v7;
	[tilespmem:s23+$0x0] =	vst v52  }
0xd9: {  	v52 =	vld.idx.msk [tilespmem:v56+s15+$0x0], $0xffff;
	v56 =	vor.u32 s24, v8  }
0xda: {  	v58 =	vor.u32 s24, v9;
	v57 =	vld.idx.msk [tilespmem:v60+s15+$0x0], $0xffff  }
0xdb: {  	v59 =	vor.u32 s24, v10;
	v53 =	vld.idx.msk [tilespmem:v61+s15+$0x0], $0xffff  }
0xdc: {  	v54 =	vld.idx.msk [tilespmem:v62+s15+$0x0], $0xffff;
	v60 =	vor.u32 s24, v11  }
0xdd: {  	v61 =	vor.u32 s24, v12;
	v55 =	vld.idx.msk [tilespmem:v55+s15+$0x0], $0xffff  }
0xde: {  	v62 =	vor.u32 s24, v13;
	v56 =	vld.idx.msk [tilespmem:v56+s15+$0x0], $0xffff;
	v52 =	vmax.f32 v52, $-1.000000000e+00  }
0xdf: {  	v63 =	vor.u32 s24, v14;
	v58 =	vld.idx.msk [tilespmem:v58+s15+$0x0], $0xffff;
	v52 =	vmax.f32 v52, v57  }
0xe0: {  	v57 =	vld.idx.msk [tilespmem:v59+s15+$0x0], $0xffff;
	v59 =	vor.u32 s24, v15;
	v52 =	vmax.f32 v52, v53  }
0xe1: {  	v53 =	vld.idx.msk [tilespmem:v60+s15+$0x0], $0xffff;
	v60 =	vor.u32 s24, v16;
	v52 =	vmax.f32 v52, v54  }
0xe2: {  	v54 =	vld.idx.msk [tilespmem:v61+s15+$0x0], $0xffff;
	v61 =	vor.u32 s24, v17;
	v52 =	vmax.f32 v52, v55  }
0xe3: {  	v55 =	vld.idx.msk [tilespmem:v62+s15+$0x0], $0xffff;
	v62 =	vor.u32 s24, v18;
	v52 =	vmax.f32 v52, v56  }
0xe4: {  	v56 =	vld.idx.msk [tilespmem:v63+s15+$0x0], $0xffff;
	v52 =	vmax.f32 v52, v58  }
0xe5: {  	v63 =	vld.idx.msk [tilespmem:v59+s15+$0x0], $0xffff;
	v52 =	vmax.f32 v52, v57  }
0xe6: {  	v60 =	vld.idx.msk [tilespmem:v60+s15+$0x0], $0xffff;
	v52 =	vmax.f32 v52, v53  }
0xe7: {  	v61 =	vld.idx.msk [tilespmem:v61+s15+$0x0], $0xffff;
	v52 =	vmax.f32 v52, v54  }
0xe8: {  	v62 =	vld.idx.msk [tilespmem:v62+s15+$0x0], $0xffff;
	v52 =	vmax.f32 v52, v55  }
0xe9: {  	v52 =	vmax.f32 v52, v56  }
0xea: {  	v52 =	vmax.f32 v52, v63  }
0xeb: {  	v52 =	vmax.f32 v52, v60  }
0xec: {  	v52 =	vmax.f32 v52, v61  }
0xed: {  	s23 =	sadd.s32 $0x10, s23;
	v52 =	vmax.f32 v52, v62  }
0xee: {  	[tilespmem:s23+$0x0] =	vst v52  }
0xef: {  	v52 =	vld [tilespmem:$0x5400]  }
0xf0: {  	v63 =	vld [tilespmem:$0x5410]  }
0xf1: {  	v60 =	vld [tilespmem:$0x5420]  }
0xf2: {  	v61 =	vld [tilespmem:$0x5430]  }
0xf3: {  	v62 =	vld [tilespmem:$0x5440]  }
0xf4: {  	(xrf0) =	vmax.scan.msk.f32 $0xffff, v52  }
0xf5: {  	(xrf0) =	vmax.scan.msk.f32 $0xffff, v63  }
0xf6: {  	(xrf0) =	vmax.scan.msk.f32 $0xffff, v60  }
0xf7: {  	(xrf0) =	vmax.scan.msk.f32 $0xffff, v61  }
0xf8: {  	(xrf0) =	vmax.scan.msk.f32 $0xffff, v62;
	_ =	sdelay $0x1  }
0xf9: {  	v52, _, _ =	vpop (xrf0)  }
0xfa: {  	v53, _, _ =	vpop (xrf0);
	v52 =	vbroadcast v52, $0xF  }
0xfb: {  	v54, _, _ =	vpop (xrf0);
	v53 =	vbroadcast v53, $0xF  }
0xfc: {  	v55, _, _ =	vpop (xrf0);
	v52 =	vnsel vm0, $0xBF800000, v52;
	v54 =	vbroadcast v54, $0xF  }
0xfd: {  	v52 =	vsel vm1, v52, v53;
	v63 =	vbroadcast v55, $0xF;
	v57, _, _ =	vpop (xrf0)  }
0xfe: {  	v52 =	vsel vm2, v52, v54;
	v58 =	vbroadcast v57, $0xF  }
0xff: {  	v52 =	vsel vm3, v52, v63  }
0x100: {  	v52 =	vsel vm4, v52, v58  }
0x101: {  	[tilespmem:$0x5480] =	vst v52  }
0x102: {  	v52 =	vld [tilespmem:$0x5480];
	_ =	sdelay $0x4  }
0x103: {  	(xrf0) =	vmax.scan.msk.f32 $0xffff, v52;
	_ =	sdelay $0x5  }
0x104: {  	v59, _, _ =	vpop (xrf0)  }
0x105: {  	v53 =	vbroadcast v59, $0xF;
	_ =	sdelay $0x1  }
0x106: {  	vm7 =	veq.f32 v52, v53  }
0x107: {  	v54 =	vmctz.xlane vm7;
	_ =	sdelay $0x1  }
0x108: {  	(v2sf) =	vpush v54, $0x0;
	_ =	sdelay $0xc  }
0x109: {  	[tilespmem:$0x5560] =	vst v2  }
0x10a: {  	[tilespmem:$0x5570] =	vst v2  }
0x10b: {  	[tilespmem:$0x55E0] =	vst v20;
	s28 =	spop (v2sf)  }
0x10c: {  	[tilespmem:$0x55F0] =	vst v20;
	s29 =	sshll.u32 s28, $0x4  }
0x10d: {  	v55 =	vld [tilespmem:s29+$0x5400];
	_ =	sdelay $0x4  }
0x10e: {  	vm7 =	veq.f32 v55, v53  }
0x10f: {  	v56 =	vmctz.xlane vm7;
	_ =	sdelay $0x1  }
0x110: {  	(v2sf) =	vpush v56, $0x0;
	_ =	sdelay $0xe  }
0x111: {  	s30 =	spop (v2sf)  }
0x112: {  	s23 =	sadd.s32 s29, s30  }
0x113: {  	s23 =	sshll.u32 s23, $0x4  }
0x114: {  	v57 =	vld [tilespmem:s23+$0x4F00];
	_ =	sdelay $0x4  }
0x115: {  	vm7 =	veq.f32 v57, v53  }
0x116: {  	v58 =	vmctz.xlane vm7;
	_ =	sdelay $0x1  }
0x117: {  	(v2sf) =	vpush v58, $0x0;
	_ =	sdelay $0xe  }
0x118: {  	s25 =	spop (v2sf)  }
0x119: {  	s25 =	sadd.s32 s25, s23  }
0x11a: {  	s25 =	sshll.u32 s25, $0x4  }
0x11b: {  	v59 =	vld [tilespmem:s25+$0x0];
	_ =	sdelay $0x4  }
0x11c: {  	vm7 =	veq.f32 v59, v53  }
0x11d: {  	v60 =	vmctz.xlane vm7;
	_ =	sdelay $0x1  }
0x11e: {  	v61 =	vbroadcast v60, $0x0;
	_ =	sdelay $0x1  }
0x11f: {  	vm7 =	veq.s32 v61, v0  }
0x120: {  	v59 =	vsel vm7, $0xBF800000, v59  }
0x121: {  	(xrf0) =	vmax.scan.msk.f32 $0xffff, v59;
	_ =	sdelay $0x5  }
0x122: {  	v58 =	vbroadcast v58, $0x0;
	v61, _, _ =	vpop (xrf0)  }
0x123: {  	v61 =	vbroadcast v61, $0xF  }
0x124: {  	(v2sf) =	vpush v60, $0x0;
	vm7 =	veq.s32 v58, v0  }
0x125: {  	v57 =	vsel vm7, v61, v57  }
0x126: {  	(xrf0) =	vmax.scan.msk.f32 $0xffff, v57;
	_ =	sdelay $0x5  }
0x127: {  	v56 =	vbroadcast v56, $0x0;
	v60, _, _ =	vpop (xrf0)  }
0x128: {  	v58 =	vbroadcast v60, $0xF  }
0x129: {  	vm7 =	veq.s32 v56, v0  }
0x12a: {  	s26 =	simm.s32 $0x0;
	v55 =	vsel vm7, v58, v55  }
0x12b: {  	v61 =	vmov s26;
	(xrf0) =	vmax.scan.msk.f32 $0xffff, v55;
	_ =	sdelay $0x2  }
0x12c: {  	s31 =	spop (v2sf)  }
0x12d: {  	s26 =	sadd.s32 s31, s25  }
0x12e: {  	v62 =	vmov s26;
	[tilespmem:v61+s16+$0x0] =	vst.idx.msk $0x1, v53  }
0x12f: {  	v54 =	vbroadcast v54, $0x0;
	[tilespmem:v61+s17+$0x0] =	vst.idx.msk $0x1, v62;
	v63, _, _ =	vpop (xrf0)  }
0x130: {  	[tilespmem:s25+$0x0] =	vst v59;
	v53 =	vbroadcast v63, $0xF  }
0x131: {  	[tilespmem:s23+$0x4F00] =	vst v57;
	vm7 =	veq.s32 v54, v0  }
0x132: {  	s23 =	simm.s32 $0x1;
	[tilespmem:s29+$0x5400] =	vst v55;
	v52 =	vsel vm7, v53, v52  }
.LBB2_7:
0x133: {  	p0 =	sne.s32 s23, $0x63;
	[tilespmem:$0x5480] =	vst v52;
	s24 =	smov.u32 s23;
	s23 =	sadd.s32 $0x1, s23  }
0x134: {  	v52 =	vld [tilespmem:$0x5480];
	_ =	sdelay $0x4  }
0x135: {  	(xrf0) =	vmax.scan.msk.f32 $0xffff, v52;
	_ =	sdelay $0x5  }
0x136: {  	v53, _, _ =	vpop (xrf0)  }
0x137: {  	v54 =	vbroadcast v53, $0xF;
	_ =	sdelay $0x1  }
0x138: {  	vm7 =	veq.f32 v52, v54  }
0x139: {  	v55 =	vmctz.xlane vm7;
	_ =	sdelay $0x1  }
0x13a: {  	v53 =	vbroadcast v55, $0x0;
	(v2sf) =	vpush v55, $0x0;
	_ =	sdelay $0xe  }
0x13b: {  	s25 =	spop (v2sf)  }
0x13c: {  	s25 =	sshll.u32 s25, $0x4  }
0x13d: {  	v55 =	vld [tilespmem:s25+$0x5400];
	_ =	sdelay $0x4  }
0x13e: {  	vm7 =	veq.f32 v55, v54  }
0x13f: {  	v56 =	vmctz.xlane vm7;
	_ =	sdelay $0x1  }
0x140: {  	v57 =	vbroadcast v56, $0x0;
	(v2sf) =	vpush v56, $0x0;
	_ =	sdelay $0xe  }
0x141: {  	s26 =	spop (v2sf)  }
0x142: {  	s26 =	sadd.s32 s25, s26  }
0x143: {  	s26 =	sshll.u32 s26, $0x4  }
0x144: {  	v56 =	vld [tilespmem:s26+$0x4F00];
	_ =	sdelay $0x4  }
0x145: {  	vm7 =	veq.f32 v56, v54  }
0x146: {  	v58 =	vmctz.xlane vm7;
	_ =	sdelay $0x1  }
0x147: {  	v59 =	vbroadcast v58, $0x0;
	(v2sf) =	vpush v58, $0x0;
	_ =	sdelay $0xe  }
0x148: {  	s28 =	spop (v2sf)  }
0x149: {  	s28 =	sadd.s32 s28, s26  }
0x14a: {  	s28 =	sshll.u32 s28, $0x4  }
0x14b: {  	v58 =	vld [tilespmem:s28+$0x0];
	_ =	sdelay $0x4  }
0x14c: {  	vm7 =	veq.f32 v58, v54  }
0x14d: {  	v60 =	vmctz.xlane vm7;
	_ =	sdelay $0x1  }
0x14e: {  	v61 =	vbroadcast v60, $0x0;
	(v2sf) =	vpush v60, $0x0;
	_ =	sdelay $0x1  }
0x14f: {  	vm7 =	veq.s32 v61, v0  }
0x150: {  	v58 =	vsel vm7, $0xBF800000, v58  }
0x151: {  	(xrf0) =	vmax.scan.msk.f32 $0xffff, v58;
	_ =	sdelay $0x5  }
0x152: {  	v60, _, _ =	vpop (xrf0)  }
0x153: {  	v60 =	vbroadcast v60, $0xF  }
0x154: {  	v61 =	vmov s24;
	vm7 =	veq.s32 v59, v0  }
0x155: {  	v56 =	vsel vm7, v60, v56  }
0x156: {  	(xrf0) =	vmax.scan.msk.f32 $0xffff, v56  }
0x157: {  	s24 =	spop (v2sf)  }
0x158: {  	s24 =	sadd.s32 s24, s28  }
0x159: {  	[tilespmem:v61+s16+$0x0] =	vst.idx.msk $0x1, v54;
	v54 =	vmov s24  }
0x15a: {  	[tilespmem:v61+s17+$0x0] =	vst.idx.msk $0x1, v54  }
0x15b: {  	[tilespmem:s28+$0x0] =	vst v58  }
0x15c: {  	[tilespmem:s26+$0x4F00] =	vst v56;
	v54, _, _ =	vpop (xrf0)  }
0x15d: {  	v54 =	vbroadcast v54, $0xF  }
0x15e: {  	vm7 =	veq.s32 v57, v0  }
0x15f: {  	v54 =	vsel vm7, v54, v55  }
0x160: {  	[tilespmem:s25+$0x5400] =	vst v54;
	(xrf0) =	vmax.scan.msk.f32 $0xffff, v54;
	_ =	sdelay $0x4  }
.Ltmp3:
0x161: {  	(pc) =	sbr.rel @p0 .LBB2_7-.Ltmp3, $4  }
0x162: {  	v54, _, _ =	vpop (xrf0)  }
0x163: {  	v54 =	vbroadcast v54, $0xF  }
0x164: {  	vm7 =	veq.s32 v53, v0  }
0x165: {  	v52 =	vsel vm7, v54, v52  }
0x166: {  	v53 =	vld [tilespmem:$0x5580];
	_ =	sdelay $0x6  }
0x167: {  	[tilespmem:$0x5480] =	vst v52;
	v61 =	vld [tilespmem:$0x1DF80]  }
0x168: {  	v54 =	vld.idx.msk [tilespmem:v53+s12+$0x0], $0xffff  }
0x169: {  	v55 =	vadd.s32 $0x9C40, v53  }
0x16a: {  	v56 =	vadd.s32 $0xEA60, v53;
	_ =	sdelay $0x1  }
0x16b: {  	v57 =	vnsel vm6, $0xF149F2CA, v61;
	v58 =	vadd.s32 $0x4E20, v53  }
0x16c: {  	v52 =	vnsel vm5, $0xF149F2CA, v61;
	(xrf0) =	vmax.scan.msk.f32 $0xffff, v57;
	[tilespmem:$0x5600] =	vst v54  }
0x16d: {  	(xrf0) =	vmax.scan.msk.f32 $0xffff, v52;
	v62 =	vld.idx.msk [tilespmem:v55+s13+$0x0], $0xffff  }
0x16e: {  	v54 =	vld.idx.msk [tilespmem:v56+s13+$0x0], $0xffff  }
0x16f: {  	v55 =	vld.idx.msk [tilespmem:v53+s13+$0x0], $0xffff  }
0x170: {  	v56 =	vld.idx.msk [tilespmem:v58+s13+$0x0], $0xffff;
	_ =	sdelay $0x1  }
0x171: {  	v63, _, _ =	vpop (xrf0);
	v60 =	vmul.f32 $5.000000000e-01, v62  }
0x172: {  	v61, _, _ =	vpop (xrf0);
	v54 =	vmul.f32 $5.000000000e-01, v54  }
0x173: {  	v52 =	vbroadcast v61, $0xF;
	v62 =	vsub.f32 v55, v60  }
0x174: {  	v53 =	vbroadcast v63, $0xF;
	v59 =	vsub.f32 v56, v54  }
0x175: {  	v55 =	vadd.f32 v60, v55;
	v58 =	vmul.f32 v62, v52  }
0x176: {  	v54 =	vadd.f32 v54, v56;
	v63 =	vmul.f32 v59, v53  }
0x177: {  	v55 =	vmul.f32 v55, v52;
	[tilespmem:v19+s18+$0x0] =	vst.idx.msk $0xffff, v58  }
0x178: {  	v54 =	vmul.f32 v54, v53;
	[tilespmem:v21+s18+$0x0] =	vst.idx.msk $0xffff, v63  }
0x179: {  	[tilespmem:v22+s18+$0x0] =	vst.idx.msk $0xffff, v55  }
0x17a: {  	[tilespmem:v23+s18+$0x0] =	vst.idx.msk $0xffff, v54  }
0x17b: {  	v54 =	vld [tilespmem:$0x5590];
	_ =	sdelay $0x7  }
0x17c: {  	v55 =	vld.idx.msk [tilespmem:v54+s12+$0x0], $0xffff  }
0x17d: {  	v60 =	vadd.s32 $0x9C40, v54  }
0x17e: {  	v61 =	vadd.s32 $0xEA60, v54;
	_ =	sdelay $0x1  }
0x17f: {  	v62 =	vadd.s32 $0x4E20, v54  }
0x180: {  	[tilespmem:$0x5610] =	vst v55  }
0x181: {  	v55 =	vld.idx.msk [tilespmem:v60+s13+$0x0], $0xffff  }
0x182: {  	v63 =	vld.idx.msk [tilespmem:v61+s13+$0x0], $0xffff  }
0x183: {  	v54 =	vld.idx.msk [tilespmem:v54+s13+$0x0], $0xffff  }
0x184: {  	v60 =	vld.idx.msk [tilespmem:v62+s13+$0x0], $0xffff;
	_ =	sdelay $0x1  }
0x185: {  	v55 =	vmul.f32 $5.000000000e-01, v55  }
0x186: {  	v56 =	vmul.f32 $5.000000000e-01, v63  }
0x187: {  	v61 =	vsub.f32 v54, v55  }
0x188: {  	v62 =	vsub.f32 v60, v56  }
0x189: {  	v54 =	vadd.f32 v55, v54;
	v58 =	vmul.f32 v61, v52  }
0x18a: {  	v56 =	vadd.f32 v56, v60;
	v63 =	vmul.f32 v62, v53  }
0x18b: {  	v54 =	vmul.f32 v54, v52;
	[tilespmem:v24+s18+$0x0] =	vst.idx.msk $0xffff, v58  }
0x18c: {  	v59 =	vmul.f32 v56, v53;
	[tilespmem:v25+s18+$0x0] =	vst.idx.msk $0xffff, v63  }
0x18d: {  	[tilespmem:v26+s18+$0x0] =	vst.idx.msk $0xffff, v54  }
0x18e: {  	[tilespmem:v27+s18+$0x0] =	vst.idx.msk $0xffff, v59  }
0x18f: {  	v54 =	vld [tilespmem:$0x55A0];
	_ =	sdelay $0x7  }
0x190: {  	v55 =	vld.idx.msk [tilespmem:v54+s12+$0x0], $0xffff  }
0x191: {  	v60 =	vadd.s32 $0x9C40, v54  }
0x192: {  	v61 =	vadd.s32 $0xEA60, v54;
	_ =	sdelay $0x1  }
0x193: {  	v62 =	vadd.s32 $0x4E20, v54  }
0x194: {  	[tilespmem:$0x5620] =	vst v55  }
0x195: {  	v55 =	vld.idx.msk [tilespmem:v60+s13+$0x0], $0xffff  }
0x196: {  	v63 =	vld.idx.msk [tilespmem:v61+s13+$0x0], $0xffff  }
0x197: {  	v54 =	vld.idx.msk [tilespmem:v54+s13+$0x0], $0xffff  }
0x198: {  	v60 =	vld.idx.msk [tilespmem:v62+s13+$0x0], $0xffff;
	_ =	sdelay $0x1  }
0x199: {  	v55 =	vmul.f32 $5.000000000e-01, v55  }
0x19a: {  	v56 =	vmul.f32 $5.000000000e-01, v63  }
0x19b: {  	v61 =	vsub.f32 v54, v55  }
0x19c: {  	v62 =	vsub.f32 v60, v56  }
0x19d: {  	v54 =	vadd.f32 v55, v54;
	v58 =	vmul.f32 v61, v52  }
0x19e: {  	v56 =	vadd.f32 v56, v60;
	v63 =	vmul.f32 v62, v53  }
0x19f: {  	v54 =	vmul.f32 v54, v52;
	[tilespmem:v28+s18+$0x0] =	vst.idx.msk $0xffff, v58  }
0x1a0: {  	v59 =	vmul.f32 v56, v53;
	[tilespmem:v29+s18+$0x0] =	vst.idx.msk $0xffff, v63  }
0x1a1: {  	[tilespmem:v30+s18+$0x0] =	vst.idx.msk $0xffff, v54  }
0x1a2: {  	[tilespmem:v31+s18+$0x0] =	vst.idx.msk $0xffff, v59  }
0x1a3: {  	v54 =	vld [tilespmem:$0x55B0];
	_ =	sdelay $0x7  }
0x1a4: {  	v55 =	vld.idx.msk [tilespmem:v54+s12+$0x0], $0xffff  }
0x1a5: {  	v60 =	vadd.s32 $0x9C40, v54  }
0x1a6: {  	v61 =	vadd.s32 $0xEA60, v54;
	_ =	sdelay $0x1  }
0x1a7: {  	v62 =	vadd.s32 $0x4E20, v54  }
0x1a8: {  	[tilespmem:$0x5630] =	vst v55  }
0x1a9: {  	v55 =	vld.idx.msk [tilespmem:v60+s13+$0x0], $0xffff  }
0x1aa: {  	v63 =	vld.idx.msk [tilespmem:v61+s13+$0x0], $0xffff  }
0x1ab: {  	v54 =	vld.idx.msk [tilespmem:v54+s13+$0x0], $0xffff  }
0x1ac: {  	v60 =	vld.idx.msk [tilespmem:v62+s13+$0x0], $0xffff;
	_ =	sdelay $0x1  }
0x1ad: {  	v55 =	vmul.f32 $5.000000000e-01, v55  }
0x1ae: {  	v56 =	vmul.f32 $5.000000000e-01, v63  }
0x1af: {  	v61 =	vsub.f32 v54, v55  }
0x1b0: {  	v62 =	vsub.f32 v60, v56  }
0x1b1: {  	v54 =	vadd.f32 v55, v54;
	v58 =	vmul.f32 v61, v52  }
0x1b2: {  	v56 =	vadd.f32 v56, v60;
	v63 =	vmul.f32 v62, v53  }
0x1b3: {  	v54 =	vmul.f32 v54, v52;
	[tilespmem:v32+s18+$0x0] =	vst.idx.msk $0xffff, v58  }
0x1b4: {  	v59 =	vmul.f32 v56, v53;
	[tilespmem:v33+s18+$0x0] =	vst.idx.msk $0xffff, v63  }
0x1b5: {  	[tilespmem:v34+s18+$0x0] =	vst.idx.msk $0xffff, v54  }
0x1b6: {  	[tilespmem:v35+s18+$0x0] =	vst.idx.msk $0xffff, v59  }
0x1b7: {  	v54 =	vld [tilespmem:$0x55C0];
	_ =	sdelay $0x7  }
0x1b8: {  	v55 =	vld.idx.msk [tilespmem:v54+s12+$0x0], $0xffff  }
0x1b9: {  	v60 =	vadd.s32 $0x9C40, v54  }
0x1ba: {  	v61 =	vadd.s32 $0xEA60, v54;
	_ =	sdelay $0x1  }
0x1bb: {  	v62 =	vadd.s32 $0x4E20, v54  }
0x1bc: {  	[tilespmem:$0x5640] =	vst v55  }
0x1bd: {  	v55 =	vld.idx.msk [tilespmem:v60+s13+$0x0], $0xffff  }
0x1be: {  	v63 =	vld.idx.msk [tilespmem:v61+s13+$0x0], $0xffff  }
0x1bf: {  	v54 =	vld.idx.msk [tilespmem:v54+s13+$0x0], $0xffff  }
0x1c0: {  	v60 =	vld.idx.msk [tilespmem:v62+s13+$0x0], $0xffff;
	_ =	sdelay $0x1  }
0x1c1: {  	v55 =	vmul.f32 $5.000000000e-01, v55  }
0x1c2: {  	v56 =	vmul.f32 $5.000000000e-01, v63  }
0x1c3: {  	v61 =	vsub.f32 v54, v55  }
0x1c4: {  	v62 =	vsub.f32 v60, v56  }
0x1c5: {  	v54 =	vadd.f32 v55, v54;
	v58 =	vmul.f32 v61, v52  }
0x1c6: {  	v56 =	vadd.f32 v56, v60;
	v63 =	vmul.f32 v62, v53  }
0x1c7: {  	v54 =	vmul.f32 v54, v52;
	[tilespmem:v36+s18+$0x0] =	vst.idx.msk $0xffff, v58  }
0x1c8: {  	v59 =	vmul.f32 v56, v53;
	[tilespmem:v37+s18+$0x0] =	vst.idx.msk $0xffff, v63  }
0x1c9: {  	[tilespmem:v38+s18+$0x0] =	vst.idx.msk $0xffff, v54  }
0x1ca: {  	[tilespmem:v39+s18+$0x0] =	vst.idx.msk $0xffff, v59  }
0x1cb: {  	v54 =	vld [tilespmem:$0x55D0];
	_ =	sdelay $0x7  }
0x1cc: {  	v55 =	vld.idx.msk [tilespmem:v54+s12+$0x0], $0xffff  }
0x1cd: {  	v60 =	vadd.s32 $0x9C40, v54  }
0x1ce: {  	v61 =	vadd.s32 $0xEA60, v54;
	_ =	sdelay $0x1  }
0x1cf: {  	v62 =	vadd.s32 $0x4E20, v54  }
0x1d0: {  	[tilespmem:$0x5650] =	vst v55  }
0x1d1: {  	v55 =	vld.idx.msk [tilespmem:v60+s13+$0x0], $0xffff  }
0x1d2: {  	v63 =	vld.idx.msk [tilespmem:v61+s13+$0x0], $0xffff  }
0x1d3: {  	v54 =	vld.idx.msk [tilespmem:v54+s13+$0x0], $0xffff  }
0x1d4: {  	v60 =	vld.idx.msk [tilespmem:v62+s13+$0x0], $0xffff;
	_ =	sdelay $0x1  }
0x1d5: {  	v55 =	vmul.f32 $5.000000000e-01, v55  }
0x1d6: {  	v56 =	vmul.f32 $5.000000000e-01, v63  }
0x1d7: {  	v61 =	vsub.f32 v54, v55  }
0x1d8: {  	v62 =	vsub.f32 v60, v56  }
0x1d9: {  	v54 =	vadd.f32 v55, v54;
	v58 =	vmul.f32 v61, v52  }
0x1da: {  	v56 =	vadd.f32 v56, v60;
	v63 =	vmul.f32 v62, v53  }
0x1db: {  	v54 =	vmul.f32 v54, v52;
	[tilespmem:v40+s18+$0x0] =	vst.idx.msk $0xffff, v58  }
0x1dc: {  	v59 =	vmul.f32 v56, v53;
	[tilespmem:v41+s18+$0x0] =	vst.idx.msk $0xffff, v63  }
0x1dd: {  	[tilespmem:v42+s18+$0x0] =	vst.idx.msk $0xffff, v54  }
0x1de: {  	[tilespmem:v43+s18+$0x0] =	vst.idx.msk $0xffff, v59  }
0x1df: {  	v54 =	vld [tilespmem:$0x55E0];
	_ =	sdelay $0x7  }
0x1e0: {  	v55 =	vld.idx.msk [tilespmem:v54+s12+$0x0], $0xffff  }
0x1e1: {  	v60 =	vadd.s32 $0x9C40, v54  }
0x1e2: {  	v61 =	vadd.s32 $0xEA60, v54;
	_ =	sdelay $0x1  }
0x1e3: {  	v62 =	vadd.s32 $0x4E20, v54  }
0x1e4: {  	[tilespmem:$0x5660] =	vst v55  }
0x1e5: {  	v55 =	vld.idx.msk [tilespmem:v60+s13+$0x0], $0xffff  }
0x1e6: {  	v63 =	vld.idx.msk [tilespmem:v61+s13+$0x0], $0xffff  }
0x1e7: {  	v54 =	vld.idx.msk [tilespmem:v54+s13+$0x0], $0xffff  }
0x1e8: {  	v60 =	vld.idx.msk [tilespmem:v62+s13+$0x0], $0xffff;
	_ =	sdelay $0x1  }
0x1e9: {  	v55 =	vmul.f32 $5.000000000e-01, v55  }
0x1ea: {  	v56 =	vmul.f32 $5.000000000e-01, v63  }
0x1eb: {  	v61 =	vsub.f32 v54, v55  }
0x1ec: {  	v62 =	vsub.f32 v60, v56  }
0x1ed: {  	v54 =	vadd.f32 v55, v54;
	v58 =	vmul.f32 v61, v52  }
0x1ee: {  	v56 =	vadd.f32 v56, v60;
	v63 =	vmul.f32 v62, v53  }
0x1ef: {  	v54 =	vmul.f32 v54, v52;
	[tilespmem:v44+s18+$0x0] =	vst.idx.msk $0xffff, v58  }
0x1f0: {  	v59 =	vmul.f32 v56, v53;
	[tilespmem:v45+s18+$0x0] =	vst.idx.msk $0xffff, v63  }
0x1f1: {  	[tilespmem:v46+s18+$0x0] =	vst.idx.msk $0xffff, v54  }
0x1f2: {  	[tilespmem:v47+s18+$0x0] =	vst.idx.msk $0xffff, v59  }
0x1f3: {  	v54 =	vld [tilespmem:$0x55F0];
	_ =	sdelay $0x7  }
0x1f4: {  	v55 =	vld.idx.msk [tilespmem:v54+s12+$0x0], $0xffff  }
0x1f5: {  	v60 =	vadd.s32 $0x9C40, v54  }
0x1f6: {  	v61 =	vadd.s32 $0xEA60, v54;
	_ =	sdelay $0x1  }
0x1f7: {  	v62 =	vadd.s32 $0x4E20, v54  }
0x1f8: {  	[tilespmem:$0x5670] =	vst v55  }
0x1f9: {  	v55 =	vld.idx.msk [tilespmem:v60+s13+$0x0], $0xffff  }
0x1fa: {  	v63 =	vld.idx.msk [tilespmem:v61+s13+$0x0], $0xffff  }
0x1fb: {  	v54 =	vld.idx.msk [tilespmem:v54+s13+$0x0], $0xffff  }
0x1fc: {  	v57 =	vld.idx.msk [tilespmem:v62+s13+$0x0], $0xffff;
	_ =	sdelay $0x1  }
0x1fd: {  	v55 =	vmul.f32 $5.000000000e-01, v55  }
0x1fe: {  	v56 =	vmul.f32 $5.000000000e-01, v63  }
0x1ff: {  	v60 =	vsub.f32 v54, v55  }
0x200: {  	v61 =	vsub.f32 v57, v56  }
0x201: {  	v54 =	vadd.f32 v55, v54;
	v62 =	vmul.f32 v60, v52  }
0x202: {  	v56 =	vadd.f32 v56, v57;
	v63 =	vmul.f32 v61, v53  }
0x203: {  	v52 =	vmul.f32 v54, v52;
	[tilespmem:v48+s18+$0x0] =	vst.idx.msk $0xffff, v62  }
0x204: {  	v53 =	vmul.f32 v56, v53;
	[tilespmem:v49+s18+$0x0] =	vst.idx.msk $0xffff, v63  }
0x205: {  	[tilespmem:v50+s18+$0x0] =	vst.idx.msk $0xffff, v52  }
0x206: {  	[tilespmem:v51+s18+$0x0] =	vst.idx.msk $0xffff, v53  }
0x207: {  	[hbm4b:s6+s2] =	stream.linear.scatter [tilespmem:s16], [sflag:$0x1], $0x80, $0x38;
	[tilespmem:$0x1E000] =	vst v63  }
0x208: {  	_ =	swait.ge [sflag:s11], $0x80  }
0x209: {  	[sflag:s11] =	ssyncset.done $0x0  }
0x20a: {  	[sflag:s11] =	ssyncadd.s32 $0xFFFFFF80  }
0x20b: {  	[hbm4b:s7+s2] =	stream.linear.scatter [tilespmem:s19], [sflag:$0x1], $0x80, $0x38;
	[tilespmem:$0x1E000] =	vst v63  }
0x20c: {  	s22 =	sadd.s32 $0x1, s22;
	_ =	swait.ge [sflag:s11], $0x80  }
0x20d: {  	p0 =	sne.s32 s22, s10;
	[sflag:s11] =	ssyncset.done $0x0  }
.Ltmp4:
0x20e: {  	[sflag:s11] =	ssyncadd.s32 $0xFFFFFF80;
	(pc) =	sbr.rel @p0 .LBB2_2-.Ltmp4, $4  }
0x20f: {  	[hbm4b:s8+s20] =	stream.strided.scatter [tilespmem:s18], [sflag:$0x1], $0x200, s21, s20, $0x38;
	[tilespmem:$0x1E000] =	vst v63  }
0x210: {  	_ =	swait.ge [sflag:s11], $0x200  }
0x211: {  	[sflag:s11] =	ssyncset.done $0x0  }
0x212: {  	[sflag:s11] =	ssyncadd.s32 $0xFFFFFE00  }
.LBB2_9:
0x213: {  	_ =	sfence.sel $0x180000  }
0x214: {  	[bflag:$0x0] =	sbarrier.arrive $0xFFFF  }
0x215: {  	p0 =	sne.s32 s1, $0x0;
	_ =	strace $0x90000047  }
0x216: {  	s0 =	sadd.s32 @!p0 $0x100000, s0;
	[bflag:$0x2] =	sbarrier.arrive $0xFFFF  }
0x217: {  	[sflag:s0] =	ssyncadd.tile.s32 @!p0 $0x1;
	_ =	shalt  }
.Lfunc_end2:
_tile_overlayer_lowered:
.L_overlay_start_2:
0x218: {  	(tag) =	ssettag $0x2  }
0x219: {  	s0 =	rddreg [dreg:$0x0];
	s2 =	stileid.u32  }
0x21a: {  	s1 =	rddreg [dreg:$0x1];
	p0 =	sne.s32 s2, $0x0  }
0x21b: {  	s3 =	rddreg [dreg:$0x2];
	[bflag:$0x3] =	sbarrier.arrive $0xFFFF;
	s2 =	simm.s32 @!p0 $0x1C01  }
0x21c: {  	[timem:s3], [sflag:s2] =	dma.local @!p0 [hbm:s0], s1  }
0x21d: {  	s0 =	simm.s32 @!p0 $0x1  }
0x21e: {  	_ =	swait.ge @!p0 [sflag:s0], s1  }
0x21f: {  	s1 =	ssub.s32 @!p0 $0x0, s1;
	[sflag:s0] =	ssyncset.done @!p0 $0x0  }
0x220: {  	[sflag:s0] =	ssyncadd.s32 @!p0 s1  }
0x221: {  	[bflag:$0x3] =	sbarrier.arrive $0xFFFF  }
0x222: {  	_ =	shalt  }

</sc_bundles>
